<compile_context>
chip_gen: v7x
topology: tpu7x:2x2x1
jax: 0.10.2.dev20260603
libtpu: 0.0.44.dev20260713+nightly
codegen_flags: <defaults>
</compile_context>

<pallas_src>
import functools

import jax
import jax.numpy as jnp
from jax import lax
from jax.experimental import pallas as pl
from jax.experimental.pallas import tpu as pltpu
from jax.experimental.pallas import tpu_sc as plsc

N = 10000
E = 320000
C = 128
NP = 10240
NW = 32
K = 128
RCHUNK = E // K
NCHUNK = 80
R31 = RCHUNK - 31 * NCHUNK
ROWS_PT = NP // 16
BLK = 1000

_mesh = plsc.VectorSubcoreMesh(core_axis_name="c", subcore_axis_name="s")


@functools.partial(
    pl.kernel,
    out_type=jax.ShapeDtypeStruct((NW, NP), jnp.float32),
    mesh=_mesh,
    scratch_types=[
        pltpu.VMEM((NCHUNK, K), jnp.int32),
        pltpu.VMEM((NP,), jnp.float32),
    ],
    compiler_params=pltpu.CompilerParams(needs_layout_passes=False),
)
def _sc_hist(ei_hbm, out_hbm, dst_v, hist_v):
    cid = lax.axis_index("c")
    sid = lax.axis_index("s")
    wid = sid * 2 + cid

    zero16 = jnp.zeros((16,), jnp.float32)

    def zbody(i, _):
        hist_v[pl.ds(i * 16, 16)] = zero16
        return 0

    lax.fori_loop(0, NP // 16, zbody, 0)

    ones16 = jnp.ones((16,), jnp.float32)

    def count_rows(n):
        def ebody(j, _):
            for cc in range(K // 16):
                idx = dst_v[j, pl.ds(cc * 16, 16)]
                plsc.addupdate_scatter(hist_v, [idx], ones16)
            return 0

        lax.fori_loop(0, n, ebody, 0)

    @pl.when(wid < NW - 1)
    def _():
        pltpu.sync_copy(ei_hbm.at[1, pl.ds(wid * NCHUNK, NCHUNK)], dst_v)
        count_rows(NCHUNK)

    @pl.when(wid == NW - 1)
    def _():
        pltpu.sync_copy(ei_hbm.at[1, pl.ds(31 * NCHUNK, R31)],
                        dst_v.at[pl.ds(0, R31)])
        count_rows(R31)

    pltpu.sync_copy(hist_v, out_hbm.at[wid])


@functools.partial(
    pl.kernel,
    out_type=jax.ShapeDtypeStruct((2, NP, C), jnp.float32),
    mesh=_mesh,
    scratch_types=[
        pltpu.VMEM((NCHUNK // 2, K), jnp.int32),
        pltpu.VMEM((NCHUNK // 2, K), jnp.int32),
        pltpu.VMEM((2, K, C), jnp.float32),
        pltpu.VMEM_SHARED((NP, C), jnp.float32),
        pltpu.SemaphoreType.DMA,
        pltpu.SemaphoreType.DMA,
    ],
)
def _sc_agg(hs_hbm, ei_hbm, zeros_hbm, out_hbm,
            src_v, dst_v, rows_v, acc_sh, gsem, ssem):
    cid = lax.axis_index("c")
    sid = lax.axis_index("s")
    wid = sid * 2 + cid
    base = sid * ROWS_PT
    pltpu.sync_copy(zeros_hbm, acc_sh.at[pl.ds(base, ROWS_PT)])
    plsc.subcore_barrier()

    def start_g(j, b):
        pltpu.async_copy(hs_hbm.at[src_v.at[j]], rows_v.at[b], gsem)

    def wait_g(j, b):
        pltpu.make_async_copy(hs_hbm.at[src_v.at[j]], rows_v.at[b], gsem).wait()

    def start_s(j, b):
        pltpu.async_copy(rows_v.at[b], acc_sh.at[dst_v.at[j]], ssem, add=True)

    def wait_s(j, b):
        pltpu.make_async_copy(rows_v.at[b], acc_sh.at[dst_v.at[j]], ssem).wait()

    def run_phase(start, n):
        pltpu.sync_copy(ei_hbm.at[0, pl.ds(start, n)],
                        src_v.at[pl.ds(0, n)])
        pltpu.sync_copy(ei_hbm.at[1, pl.ds(start, n)],
                        dst_v.at[pl.ds(0, n)])
        start_g(0, 0)
        start_g(1, 1)
        wait_g(0, 0)
        start_s(0, 0)

        def body(t, _):
            for i in range(2):
                j = 2 * t + 1 + i
                b = (1 + i) % 2
                wait_s(j - 1, (b + 1) % 2)
                start_g(j + 1, (b + 1) % 2)
                wait_g(j, b)
                start_s(j, b)
            return 0

        lax.fori_loop(0, (n - 2) // 2, body, 0)
        wait_g(n - 1, 1)
        start_s(n - 1, 1)
        wait_s(n - 2, 0)
        wait_s(n - 1, 1)

    @pl.when(wid < NW - 1)
    def _():
        s0 = wid * NCHUNK
        run_phase(s0, 40)
        run_phase(s0 + 40, 40)

    @pl.when(wid == NW - 1)
    def _():
        run_phase(31 * NCHUNK, R31)

    plsc.subcore_barrier()
    pltpu.sync_copy(acc_sh.at[pl.ds(base, ROWS_PT)],
                    out_hbm.at[cid, pl.ds(base, ROWS_PT)])


def _tc_matmul_body(x_ref, w_ref, h_ref):
    h_ref[...] = jnp.dot(x_ref[...], w_ref[...],
                         preferred_element_type=jnp.float32)


def _tc_matmul(x, W):
    return pl.pallas_call(
        _tc_matmul_body,
        grid=(N // BLK,),
        in_specs=[
            pl.BlockSpec((BLK, C), lambda i: (i, 0)),
            pl.BlockSpec((C, C), lambda i: (0, 0)),
        ],
        out_specs=pl.BlockSpec((BLK, C), lambda i: (i, 0)),
        out_shape=jax.ShapeDtypeStruct((N, C), jnp.float32),
    )(x, W)


def _tc_scale_body(h_ref, hists_ref, hs_ref, dcol_ref):
    deg = jnp.sum(hists_ref[...], axis=0) + 1.0
    d = lax.rsqrt(deg)[:N, None]
    hs_ref[...] = h_ref[...] * d
    dcol_ref[...] = d


def _tc_scale(h, hists):
    return pl.pallas_call(
        _tc_scale_body,
        out_shape=[
            jax.ShapeDtypeStruct((N, C), jnp.float32),
            jax.ShapeDtypeStruct((N, 1), jnp.float32),
        ],
    )(h, hists)


def _tc_final_body(acc0_ref, acc1_ref, hs_ref, df_ref, b_ref, pw_ref, o_ref):
    a0 = acc0_ref[0]
    a1 = acc1_ref[0]
    t = df_ref[...] * (a0 + a1 + hs_ref[...]) + b_ref[...]
    o_ref[...] = jnp.where(t >= 0, t, pw_ref[...] * t)


def _tc_final(acc, hs, dcol, b2, pw2):
    blk = pl.BlockSpec((BLK, C), lambda i: (i, 0))
    vec = pl.BlockSpec((1, C), lambda i: (0, 0))
    return pl.pallas_call(
        _tc_final_body,
        grid=(N // BLK,),
        in_specs=[
            pl.BlockSpec((1, BLK, C), lambda i: (0, i, 0)),
            pl.BlockSpec((1, BLK, C), lambda i: (1, i, 0)),
            blk, pl.BlockSpec((BLK, 1), lambda i: (i, 0)), vec, vec,
        ],
        out_specs=blk,
        out_shape=jax.ShapeDtypeStruct((N, C), jnp.float32),
    )(acc, acc, hs, dcol, b2, pw2)


def kernel(x, edge_index, W, b, prelu_w):
    ei3 = edge_index.astype(jnp.int32).reshape(2, RCHUNK, K)
    zeros_blk = jnp.zeros((ROWS_PT, C), jnp.float32)

    h = _tc_matmul(x, W)
    hists = _sc_hist(ei3)
    hs, dcol = _tc_scale(h, hists)
    acc = _sc_agg(hs, ei3, zeros_blk)
    return _tc_final(acc, hs, dcol, b.reshape(1, C), prelu_w.reshape(1, C))

# --- scband reference (transcript-rebuilt; emitter-appended) ---
"""Pipeline reference for scband-encoder-16604343566763 (READ-ONLY COPY).

The authoritative reference and input builder live on the scoring server;
editing this copy changes nothing except your own understanding.
"""

import jax, jax.numpy as jnp
import numpy as np

N_NODES = 10000
N_EDGES = 320000
IN_CH = 128
HID_CH = 128


def setup_inputs(seed: int = 0) -> dict:
    key = jax.random.key(seed)
    k_x, k_ei, k_w, k_b = jax.random.split(key, 4)
    x = jax.random.normal(k_x, (N_NODES, IN_CH), dtype=jnp.float32)
    edge_index = jax.random.randint(k_ei, (2, N_EDGES), 0, N_NODES, dtype=jnp.int64)
    # GCNConv linear weight (glorot) and bias
    limit = float(np.sqrt(6.0 / (IN_CH + HID_CH)))
    W = jax.random.uniform(k_w, (IN_CH, HID_CH), dtype=jnp.float32, minval=-limit, maxval=limit)
    b = jnp.zeros((HID_CH,), dtype=jnp.float32)
    # PReLU per-channel weight, torch default init 0.25
    prelu_w = jnp.full((HID_CH,), 0.25, dtype=jnp.float32)
    return {"x": x, "edge_index": edge_index, "W": W, "b": b, "prelu_w": prelu_w}


def gcn_conv(x, edge_index, W, b):
    N = x.shape[0]
    # add self-loops (PyG GCNConv default)
    loop = jnp.arange(N, dtype=edge_index.dtype)
    src = jnp.concatenate([edge_index[0], loop])
    dst = jnp.concatenate([edge_index[1], loop])
    # linear transform
    h = x @ W
    # symmetric normalization: deg computed over dst with unit edge weights
    deg = jax.ops.segment_sum(jnp.ones_like(dst, dtype=h.dtype), dst, num_segments=N)
    deg_inv_sqrt = jnp.where(deg > 0, deg ** -0.5, 0.0)
    norm = deg_inv_sqrt[src] * deg_inv_sqrt[dst]
    # gather, scale, scatter-add to destination nodes
    msgs = h[src] * norm[:, None]
    out = jax.ops.segment_sum(msgs, dst, num_segments=N)
    return out + b


def reference(x, edge_index, W, b, prelu_w):
    x1 = gcn_conv(x, edge_index, W, b)
    # PReLU with per-channel weight
    x1 = jnp.where(x1 >= 0, x1, prelu_w * x1)
    return x1

if __name__ == "__main__":
    import jax
    _d = setup_inputs()
    print(jax.jit(kernel)(*tuple(_d.values())))

</pallas_src>

<mosaic_0001>
#map = affine_map<(d0, d1) -> (0, 0, 0)>
#map1 = affine_map<(d0, d1) -> (0, 0)>
module attributes {stable_mosaic.version = 14 : i64} {
  func.func @_sc_hist(%arg0: i32, %arg1: i32, %arg2: memref<2x2500x128xi32, #tpu.memory_space<hbm>>, %arg3: memref<32x10240xf32, #tpu.memory_space<hbm>>, %arg4: memref<80x128xi32, #tpu.memory_space<vmem>>, %arg5: memref<10240xf32, #tpu.memory_space<vmem>>) attributes {dimension_semantics = [#tpu.dimension_semantics<core_parallel>, #tpu.dimension_semantics<subcore_parallel>], iteration_bounds = array<i64: 2, 16>, scalar_prefetch = 0 : i64, scratch_operands = 2 : i64, tpu.core_type = #tpu.core_type<sc_vector_subcore>, window_params = [{transform_indices = #map}, {transform_indices = #map1}]} {
    %mul3A = arith.constant 2 : i32
    %mul3A_0 = arith.muli %arg1, %mul3A : i32
    %add3A = arith.addi %mul3A_0, %arg0 : i32
    %broadcast_in_dim3A = arith.constant 0.000000e+00 : f32
    %broadcast_in_dim3A_1 = vector.broadcast %broadcast_in_dim3A : f32 to vector<16xf32>
    %scan3A = arith.constant 0 : i32
    %scan3A_2 = arith.constant 0 : i32
    %scan3A_3 = arith.constant 640 : i32
    %scan3A_4 = arith.addi %scan3A_2, %scan3A_3 : i32
    %scan3A_5 = arith.constant 1 : i32
    %scan3A_6 = scf.for %scan3A_16 = %scan3A_2 to %scan3A_4 step %scan3A_5 iter_args(%scan3A_17 = %scan3A) -> (i32)  : i32 {
      %mul3A_18 = arith.constant 16 : i32
      %mul3A_19 = arith.muli %scan3A_16, %mul3A_18 : i32
      %swap3A = arith.index_cast %mul3A_19 : i32 to index
      %swap3A_20 = tpu.vector_load %arg5[%swap3A] {strides = array<i32>} : memref<10240xf32, #tpu.memory_space<vmem>>, vector<16xf32>,
      tpu.vector_store %arg5[%swap3A], %broadcast_in_dim3A_1 {strides = array<i32>} : memref<10240xf32, #tpu.memory_space<vmem>>, vector<16xf32>,
      %scan3A_21 = arith.constant 0 : i32
      scf.yield %scan3A_21 : i32
    }
    %scan3A_7 = arith.constant 640 : i32
    %broadcast_in_dim3A_8 = arith.constant 1.000000e+00 : f32
    %broadcast_in_dim3A_9 = vector.broadcast %broadcast_in_dim3A_8 : f32 to vector<16xf32>
    %lt3A = arith.constant 31 : i32
    %lt3A_10 = arith.cmpi slt, %add3A, %lt3A : i32
    %convert_element_type3A = arith.extui %lt3A_10 : i1 to i32
    %cond3A = arith.constant 0 : i32
    %cond3A_11 = arith.cmpi ne, %convert_element_type3A, %cond3A : i32
    scf.if %cond3A_11 {
      %mul3A_16 = arith.constant 80 : i32
      %mul3A_17 = arith.muli %add3A, %mul3A_16 : i32
      %run_scoped3A = arith.constant 1 : i32
      "tpu.region"() ({
        %run_scoped3A_25 = tpu.sem_alloc : memref<!tpu.dma_semaphore, #tpu.memory_space<semaphore_mem>>
        %dma_start3A = arith.constant 0 : i32
        %dma_start3A_26 = tpu.memref_slice %arg2[%run_scoped3A, %mul3A_17, %dma_start3A] : memref<2x2500x128xi32, #tpu.memory_space<hbm>> -> memref<1x80x128xi32, #tpu.memory_space<hbm>>
        %dma_start3A_27 = tpu.memref_squeeze %dma_start3A_26 : memref<1x80x128xi32, #tpu.memory_space<hbm>> -> memref<80x128xi32, #tpu.memory_space<hbm>>
        %dma_start3A_28 = arith.constant 0 : i32
        %dma_start3A_29 = tpu.memref_slice %arg2[%run_scoped3A, %mul3A_17, %dma_start3A_28] : memref<2x2500x128xi32, #tpu.memory_space<hbm>> -> memref<1x80x128xi32, #tpu.memory_space<hbm>>
        %dma_start3A_30 = tpu.memref_squeeze %dma_start3A_29 : memref<1x80x128xi32, #tpu.memory_space<hbm>> -> memref<80x128xi32, #tpu.memory_space<hbm>>
        tpu.enqueue_dma source(%dma_start3A_30 : memref<80x128xi32, #tpu.memory_space<hbm>>) target(%arg4 : memref<80x128xi32, #tpu.memory_space<vmem>>) target_semaphore(%run_scoped3A_25 : memref<!tpu.dma_semaphore, #tpu.memory_space<semaphore_mem>>)
        %dma_wait3A = arith.constant 0 : i32
        %dma_wait3A_31 = tpu.memref_slice %arg2[%run_scoped3A, %mul3A_17, %dma_wait3A] : memref<2x2500x128xi32, #tpu.memory_space<hbm>> -> memref<1x80x128xi32, #tpu.memory_space<hbm>>
        %dma_wait3A_32 = tpu.memref_squeeze %dma_wait3A_31 : memref<1x80x128xi32, #tpu.memory_space<hbm>> -> memref<80x128xi32, #tpu.memory_space<hbm>>
        %dma_wait3A_33 = arith.constant 0 : i32
        %dma_wait3A_34 = tpu.memref_slice %arg2[%run_scoped3A, %mul3A_17, %dma_wait3A_33] : memref<2x2500x128xi32, #tpu.memory_space<hbm>> -> memref<1x80x128xi32, #tpu.memory_space<hbm>>
        %dma_wait3A_35 = tpu.memref_squeeze %dma_wait3A_34 : memref<1x80x128xi32, #tpu.memory_space<hbm>> -> memref<80x128xi32, #tpu.memory_space<hbm>>
        tpu.wait_dma2 semaphore(%run_scoped3A_25 : memref<!tpu.dma_semaphore, #tpu.memory_space<semaphore_mem>>) src(%dma_wait3A_35 : memref<80x128xi32, #tpu.memory_space<hbm>>) dst(%arg4 : memref<80x128xi32, #tpu.memory_space<vmem>>)
        tpu.yield
      }) : () -> ()
      %scan3A_18 = arith.constant 0 : i32
      %scan3A_19 = arith.constant 0 : i32
      %scan3A_20 = arith.constant 80 : i32
      %scan3A_21 = arith.addi %scan3A_19, %scan3A_20 : i32
      %scan3A_22 = arith.constant 1 : i32
      %scan3A_23 = scf.for %scan3A_25 = %scan3A_19 to %scan3A_21 step %scan3A_22 iter_args(%scan3A_26 = %scan3A_18) -> (i32)  : i32 {
        %get3A = arith.index_cast %scan3A_25 : i32 to index
        %get3A_27 = arith.constant 0 : index
        %get3A_28 = tpu.vector_load %arg4[%get3A, %get3A_27] {strides = array<i32>} : memref<80x128xi32, #tpu.memory_space<vmem>>, vector<16xi32>,
        tpu.vector_store_idx %arg5[%get3A_28], %broadcast_in_dim3A_9 {add = true} : memref<10240xf32, #tpu.memory_space<vmem>>[vector<16xi32>], vector<16xf32>,
        %get3A_29 = arith.index_cast %scan3A_25 : i32 to index
        %get3A_30 = arith.constant 16 : index
        %get3A_31 = tpu.vector_load %arg4[%get3A_29, %get3A_30] {strides = array<i32>} : memref<80x128xi32, #tpu.memory_space<vmem>>, vector<16xi32>,
        tpu.vector_store_idx %arg5[%get3A_31], %broadcast_in_dim3A_9 {add = true} : memref<10240xf32, #tpu.memory_space<vmem>>[vector<16xi32>], vector<16xf32>,
        %get3A_32 = arith.index_cast %scan3A_25 : i32 to index
        %get3A_33 = arith.constant 32 : index
        %get3A_34 = tpu.vector_load %arg4[%get3A_32, %get3A_33] {strides = array<i32>} : memref<80x128xi32, #tpu.memory_space<vmem>>, vector<16xi32>,
        tpu.vector_store_idx %arg5[%get3A_34], %broadcast_in_dim3A_9 {add = true} : memref<10240xf32, #tpu.memory_space<vmem>>[vector<16xi32>], vector<16xf32>,
        %get3A_35 = arith.index_cast %scan3A_25 : i32 to index
        %get3A_36 = arith.constant 48 : index
        %get3A_37 = tpu.vector_load %arg4[%get3A_35, %get3A_36] {strides = array<i32>} : memref<80x128xi32, #tpu.memory_space<vmem>>, vector<16xi32>,
        tpu.vector_store_idx %arg5[%get3A_37], %broadcast_in_dim3A_9 {add = true} : memref<10240xf32, #tpu.memory_space<vmem>>[vector<16xi32>], vector<16xf32>,
        %get3A_38 = arith.index_cast %scan3A_25 : i32 to index
        %get3A_39 = arith.constant 64 : index
        %get3A_40 = tpu.vector_load %arg4[%get3A_38, %get3A_39] {strides = array<i32>} : memref<80x128xi32, #tpu.memory_space<vmem>>, vector<16xi32>,
        tpu.vector_store_idx %arg5[%get3A_40], %broadcast_in_dim3A_9 {add = true} : memref<10240xf32, #tpu.memory_space<vmem>>[vector<16xi32>], vector<16xf32>,
        %get3A_41 = arith.index_cast %scan3A_25 : i32 to index
        %get3A_42 = arith.constant 80 : index
        %get3A_43 = tpu.vector_load %arg4[%get3A_41, %get3A_42] {strides = array<i32>} : memref<80x128xi32, #tpu.memory_space<vmem>>, vector<16xi32>,
        tpu.vector_store_idx %arg5[%get3A_43], %broadcast_in_dim3A_9 {add = true} : memref<10240xf32, #tpu.memory_space<vmem>>[vector<16xi32>], vector<16xf32>,
        %get3A_44 = arith.index_cast %scan3A_25 : i32 to index
        %get3A_45 = arith.constant 96 : index
        %get3A_46 = tpu.vector_load %arg4[%get3A_44, %get3A_45] {strides = array<i32>} : memref<80x128xi32, #tpu.memory_space<vmem>>, vector<16xi32>,
        tpu.vector_store_idx %arg5[%get3A_46], %broadcast_in_dim3A_9 {add = true} : memref<10240xf32, #tpu.memory_space<vmem>>[vector<16xi32>], vector<16xf32>,
        %get3A_47 = arith.index_cast %scan3A_25 : i32 to index
        %get3A_48 = arith.constant 112 : index
        %get3A_49 = tpu.vector_load %arg4[%get3A_47, %get3A_48] {strides = array<i32>} : memref<80x128xi32, #tpu.memory_space<vmem>>, vector<16xi32>,
        tpu.vector_store_idx %arg5[%get3A_49], %broadcast_in_dim3A_9 {add = true} : memref<10240xf32, #tpu.memory_space<vmem>>[vector<16xi32>], vector<16xf32>,
        %scan3A_50 = arith.constant 0 : i32
        scf.yield %scan3A_50 : i32
      }
      %scan3A_24 = arith.constant 80 : i32
    } else {
    }
    %eq3A = arith.constant 31 : i32
    %eq3A_12 = arith.cmpi eq, %add3A, %eq3A : i32
    %convert_element_type3A_13 = arith.extui %eq3A_12 : i1 to i32
    %cond3A_14 = arith.constant 0 : i32
    %cond3A_15 = arith.cmpi ne, %convert_element_type3A_13, %cond3A_14 : i32
    scf.if %cond3A_15 {
      %run_scoped3A = arith.constant 1 : i32
      "tpu.region"() ({
        %run_scoped3A_23 = tpu.sem_alloc : memref<!tpu.dma_semaphore, #tpu.memory_space<semaphore_mem>>
        %dma_start3A = arith.constant 0 : i32
        %dma_start3A_24 = arith.constant 0 : i32
        %dma_start3A_25 = tpu.memref_slice %arg4[%dma_start3A, %dma_start3A_24] : memref<80x128xi32, #tpu.memory_space<vmem>> -> memref<20x128xi32, #tpu.memory_space<vmem>>
        %dma_start3A_26 = arith.constant 2480 : i32
        %dma_start3A_27 = arith.constant 0 : i32
        %dma_start3A_28 = tpu.memref_slice %arg2[%run_scoped3A, %dma_start3A_26, %dma_start3A_27] : memref<2x2500x128xi32, #tpu.memory_space<hbm>> -> memref<1x20x128xi32, #tpu.memory_space<hbm>>
        %dma_start3A_29 = tpu.memref_squeeze %dma_start3A_28 : memref<1x20x128xi32, #tpu.memory_space<hbm>> -> memref<20x128xi32, #tpu.memory_space<hbm>>
        %dma_start3A_30 = arith.constant 0 : i32
        %dma_start3A_31 = arith.constant 0 : i32
        %dma_start3A_32 = tpu.memref_slice %arg4[%dma_start3A_30, %dma_start3A_31] : memref<80x128xi32, #tpu.memory_space<vmem>> -> memref<20x128xi32, #tpu.memory_space<vmem>>
        %dma_start3A_33 = arith.constant 2480 : i32
        %dma_start3A_34 = arith.constant 0 : i32
        %dma_start3A_35 = tpu.memref_slice %arg2[%run_scoped3A, %dma_start3A_33, %dma_start3A_34] : memref<2x2500x128xi32, #tpu.memory_space<hbm>> -> memref<1x20x128xi32, #tpu.memory_space<hbm>>
        %dma_start3A_36 = tpu.memref_squeeze %dma_start3A_35 : memref<1x20x128xi32, #tpu.memory_space<hbm>> -> memref<20x128xi32, #tpu.memory_space<hbm>>
        tpu.enqueue_dma source(%dma_start3A_36 : memref<20x128xi32, #tpu.memory_space<hbm>>) target(%dma_start3A_32 : memref<20x128xi32, #tpu.memory_space<vmem>>) target_semaphore(%run_scoped3A_23 : memref<!tpu.dma_semaphore, #tpu.memory_space<semaphore_mem>>)
        %dma_wait3A = arith.constant 0 : i32
        %dma_wait3A_37 = arith.constant 0 : i32
        %dma_wait3A_38 = tpu.memref_slice %arg4[%dma_wait3A, %dma_wait3A_37] : memref<80x128xi32, #tpu.memory_space<vmem>> -> memref<20x128xi32, #tpu.memory_space<vmem>>
        %dma_wait3A_39 = arith.constant 2480 : i32
        %dma_wait3A_40 = arith.constant 0 : i32
        %dma_wait3A_41 = tpu.memref_slice %arg2[%run_scoped3A, %dma_wait3A_39, %dma_wait3A_40] : memref<2x2500x128xi32, #tpu.memory_space<hbm>> -> memref<1x20x128xi32, #tpu.memory_space<hbm>>
        %dma_wait3A_42 = tpu.memref_squeeze %dma_wait3A_41 : memref<1x20x128xi32, #tpu.memory_space<hbm>> -> memref<20x128xi32, #tpu.memory_space<hbm>>
        %dma_wait3A_43 = arith.constant 0 : i32
        %dma_wait3A_44 = arith.constant 0 : i32
        %dma_wait3A_45 = tpu.memref_slice %arg4[%dma_wait3A_43, %dma_wait3A_44] : memref<80x128xi32, #tpu.memory_space<vmem>> -> memref<20x128xi32, #tpu.memory_space<vmem>>
        %dma_wait3A_46 = arith.constant 2480 : i32
        %dma_wait3A_47 = arith.constant 0 : i32
        %dma_wait3A_48 = tpu.memref_slice %arg2[%run_scoped3A, %dma_wait3A_46, %dma_wait3A_47] : memref<2x2500x128xi32, #tpu.memory_space<hbm>> -> memref<1x20x128xi32, #tpu.memory_space<hbm>>
        %dma_wait3A_49 = tpu.memref_squeeze %dma_wait3A_48 : memref<1x20x128xi32, #tpu.memory_space<hbm>> -> memref<20x128xi32, #tpu.memory_space<hbm>>
        tpu.wait_dma2 semaphore(%run_scoped3A_23 : memref<!tpu.dma_semaphore, #tpu.memory_space<semaphore_mem>>) src(%dma_wait3A_49 : memref<20x128xi32, #tpu.memory_space<hbm>>) dst(%dma_wait3A_45 : memref<20x128xi32, #tpu.memory_space<vmem>>)
        tpu.yield
      }) : () -> ()
      %scan3A_16 = arith.constant 0 : i32
      %scan3A_17 = arith.constant 0 : i32
      %scan3A_18 = arith.constant 20 : i32
      %scan3A_19 = arith.addi %scan3A_17, %scan3A_18 : i32
      %scan3A_20 = arith.constant 1 : i32
      %scan3A_21 = scf.for %scan3A_23 = %scan3A_17 to %scan3A_19 step %scan3A_20 iter_args(%scan3A_24 = %scan3A_16) -> (i32)  : i32 {
        %get3A = arith.index_cast %scan3A_23 : i32 to index
        %get3A_25 = arith.constant 0 : index
        %get3A_26 = tpu.vector_load %arg4[%get3A, %get3A_25] {strides = array<i32>} : memref<80x128xi32, #tpu.memory_space<vmem>>, vector<16xi32>,
        tpu.vector_store_idx %arg5[%get3A_26], %broadcast_in_dim3A_9 {add = true} : memref<10240xf32, #tpu.memory_space<vmem>>[vector<16xi32>], vector<16xf32>,
        %get3A_27 = arith.index_cast %scan3A_23 : i32 to index
        %get3A_28 = arith.constant 16 : index
        %get3A_29 = tpu.vector_load %arg4[%get3A_27, %get3A_28] {strides = array<i32>} : memref<80x128xi32, #tpu.memory_space<vmem>>, vector<16xi32>,
        tpu.vector_store_idx %arg5[%get3A_29], %broadcast_in_dim3A_9 {add = true} : memref<10240xf32, #tpu.memory_space<vmem>>[vector<16xi32>], vector<16xf32>,
        %get3A_30 = arith.index_cast %scan3A_23 : i32 to index
        %get3A_31 = arith.constant 32 : index
        %get3A_32 = tpu.vector_load %arg4[%get3A_30, %get3A_31] {strides = array<i32>} : memref<80x128xi32, #tpu.memory_space<vmem>>, vector<16xi32>,
        tpu.vector_store_idx %arg5[%get3A_32], %broadcast_in_dim3A_9 {add = true} : memref<10240xf32, #tpu.memory_space<vmem>>[vector<16xi32>], vector<16xf32>,
        %get3A_33 = arith.index_cast %scan3A_23 : i32 to index
        %get3A_34 = arith.constant 48 : index
        %get3A_35 = tpu.vector_load %arg4[%get3A_33, %get3A_34] {strides = array<i32>} : memref<80x128xi32, #tpu.memory_space<vmem>>, vector<16xi32>,
        tpu.vector_store_idx %arg5[%get3A_35], %broadcast_in_dim3A_9 {add = true} : memref<10240xf32, #tpu.memory_space<vmem>>[vector<16xi32>], vector<16xf32>,
        %get3A_36 = arith.index_cast %scan3A_23 : i32 to index
        %get3A_37 = arith.constant 64 : index
        %get3A_38 = tpu.vector_load %arg4[%get3A_36, %get3A_37] {strides = array<i32>} : memref<80x128xi32, #tpu.memory_space<vmem>>, vector<16xi32>,
        tpu.vector_store_idx %arg5[%get3A_38], %broadcast_in_dim3A_9 {add = true} : memref<10240xf32, #tpu.memory_space<vmem>>[vector<16xi32>], vector<16xf32>,
        %get3A_39 = arith.index_cast %scan3A_23 : i32 to index
        %get3A_40 = arith.constant 80 : index
        %get3A_41 = tpu.vector_load %arg4[%get3A_39, %get3A_40] {strides = array<i32>} : memref<80x128xi32, #tpu.memory_space<vmem>>, vector<16xi32>,
        tpu.vector_store_idx %arg5[%get3A_41], %broadcast_in_dim3A_9 {add = true} : memref<10240xf32, #tpu.memory_space<vmem>>[vector<16xi32>], vector<16xf32>,
        %get3A_42 = arith.index_cast %scan3A_23 : i32 to index
        %get3A_43 = arith.constant 96 : index
        %get3A_44 = tpu.vector_load %arg4[%get3A_42, %get3A_43] {strides = array<i32>} : memref<80x128xi32, #tpu.memory_space<vmem>>, vector<16xi32>,
        tpu.vector_store_idx %arg5[%get3A_44], %broadcast_in_dim3A_9 {add = true} : memref<10240xf32, #tpu.memory_space<vmem>>[vector<16xi32>], vector<16xf32>,
        %get3A_45 = arith.index_cast %scan3A_23 : i32 to index
        %get3A_46 = arith.constant 112 : index
        %get3A_47 = tpu.vector_load %arg4[%get3A_45, %get3A_46] {strides = array<i32>} : memref<80x128xi32, #tpu.memory_space<vmem>>, vector<16xi32>,
        tpu.vector_store_idx %arg5[%get3A_47], %broadcast_in_dim3A_9 {add = true} : memref<10240xf32, #tpu.memory_space<vmem>>[vector<16xi32>], vector<16xf32>,
        %scan3A_48 = arith.constant 0 : i32
        scf.yield %scan3A_48 : i32
      }
      %scan3A_22 = arith.constant 20 : i32
    } else {
    }
    "tpu.region"() ({
      %run_scoped3A = tpu.sem_alloc : memref<!tpu.dma_semaphore, #tpu.memory_space<semaphore_mem>>
      %dma_start3A = arith.constant 0 : i32
      %dma_start3A_16 = tpu.memref_slice %arg3[%add3A, %dma_start3A] : memref<32x10240xf32, #tpu.memory_space<hbm>> -> memref<1x10240xf32, #tpu.memory_space<hbm>>
      %dma_start3A_17 = tpu.memref_squeeze %dma_start3A_16 : memref<1x10240xf32, #tpu.memory_space<hbm>> -> memref<10240xf32, #tpu.memory_space<hbm>>
      %dma_start3A_18 = arith.constant 0 : i32
      %dma_start3A_19 = tpu.memref_slice %arg3[%add3A, %dma_start3A_18] : memref<32x10240xf32, #tpu.memory_space<hbm>> -> memref<1x10240xf32, #tpu.memory_space<hbm>>
      %dma_start3A_20 = tpu.memref_squeeze %dma_start3A_19 : memref<1x10240xf32, #tpu.memory_space<hbm>> -> memref<10240xf32, #tpu.memory_space<hbm>>
      tpu.enqueue_dma source(%arg5 : memref<10240xf32, #tpu.memory_space<vmem>>) target(%dma_start3A_20 : memref<10240xf32, #tpu.memory_space<hbm>>) target_semaphore(%run_scoped3A : memref<!tpu.dma_semaphore, #tpu.memory_space<semaphore_mem>>)
      %dma_wait3A = arith.constant 0 : i32
      %dma_wait3A_21 = tpu.memref_slice %arg3[%add3A, %dma_wait3A] : memref<32x10240xf32, #tpu.memory_space<hbm>> -> memref<1x10240xf32, #tpu.memory_space<hbm>>
      %dma_wait3A_22 = tpu.memref_squeeze %dma_wait3A_21 : memref<1x10240xf32, #tpu.memory_space<hbm>> -> memref<10240xf32, #tpu.memory_space<hbm>>
      %dma_wait3A_23 = arith.constant 0 : i32
      %dma_wait3A_24 = tpu.memref_slice %arg3[%add3A, %dma_wait3A_23] : memref<32x10240xf32, #tpu.memory_space<hbm>> -> memref<1x10240xf32, #tpu.memory_space<hbm>>
      %dma_wait3A_25 = tpu.memref_squeeze %dma_wait3A_24 : memref<1x10240xf32, #tpu.memory_space<hbm>> -> memref<10240xf32, #tpu.memory_space<hbm>>
      tpu.wait_dma2 semaphore(%run_scoped3A : memref<!tpu.dma_semaphore, #tpu.memory_space<semaphore_mem>>) src(%arg5 : memref<10240xf32, #tpu.memory_space<vmem>>) dst(%dma_wait3A_25 : memref<10240xf32, #tpu.memory_space<hbm>>)
      tpu.yield
    }) : () -> ()
    return
  }
}

#map = affine_map<(d0, d1) -> (0, 0)>
#map1 = affine_map<(d0, d1) -> (0, 0, 0)>
module attributes {stable_mosaic.version = 14 : i64} {
  func.func @_sc_agg(%arg0: i32, %arg1: i32, %arg2: memref<10000x128xf32, #tpu.memory_space<hbm>>, %arg3: memref<2x2500x128xi32, #tpu.memory_space<hbm>>, %arg4: memref<640x128xf32, #tpu.memory_space<hbm>>, %arg5: memref<2x10240x128xf32, #tpu.memory_space<hbm>>, %arg6: memref<40x128xi32, #tpu.memory_space<vmem>>, %arg7: memref<40x128xi32, #tpu.memory_space<vmem>>, %arg8: memref<2x128x128xf32, #tpu.memory_space<vmem>>, %arg9: memref<10240x128xf32, #tpu.memory_space<vmem_shared>>, %arg10: memref<!tpu.dma_semaphore, #tpu.memory_space<semaphore_mem>>, %arg11: memref<!tpu.dma_semaphore, #tpu.memory_space<semaphore_mem>>) attributes {dimension_semantics = [#tpu.dimension_semantics<core_parallel>, #tpu.dimension_semantics<subcore_parallel>], iteration_bounds = array<i64: 2, 16>, scalar_prefetch = 0 : i64, scratch_operands = 6 : i64, tpu.core_type = #tpu.core_type<sc_vector_subcore>, window_params = [{transform_indices = #map}, {transform_indices = #map1}, {transform_indices = #map}, {transform_indices = #map1}]} {
    %mul3A = arith.constant 2 : i32
    %mul3A_0 = arith.muli %arg1, %mul3A : i32
    %add3A = arith.addi %mul3A_0, %arg0 : i32
    %mul3A_1 = arith.constant 640 : i32
    %mul3A_2 = arith.muli %arg1, %mul3A_1 : i32
    "tpu.region"() ({
      %run_scoped3A = tpu.sem_alloc : memref<!tpu.dma_semaphore, #tpu.memory_space<semaphore_mem>>
      %dma_start3A = arith.constant 0 : i32
      %dma_start3A_10 = tpu.memref_slice %arg9[%mul3A_2, %dma_start3A] : memref<10240x128xf32, #tpu.memory_space<vmem_shared>> -> memref<640x128xf32, #tpu.memory_space<vmem_shared>>
      tpu.enqueue_dma source(%arg4 : memref<640x128xf32, #tpu.memory_space<hbm>>) target(%dma_start3A_10 : memref<640x128xf32, #tpu.memory_space<vmem_shared>>) target_semaphore(%run_scoped3A : memref<!tpu.dma_semaphore, #tpu.memory_space<semaphore_mem>>)
      %dma_wait3A = arith.constant 0 : i32
      %dma_wait3A_11 = tpu.memref_slice %arg9[%mul3A_2, %dma_wait3A] : memref<10240x128xf32, #tpu.memory_space<vmem_shared>> -> memref<640x128xf32, #tpu.memory_space<vmem_shared>>
      tpu.wait_dma2 semaphore(%run_scoped3A : memref<!tpu.dma_semaphore, #tpu.memory_space<semaphore_mem>>) src(%arg4 : memref<640x128xf32, #tpu.memory_space<hbm>>) dst(%dma_wait3A_11 : memref<640x128xf32, #tpu.memory_space<vmem_shared>>)
      tpu.yield
    }) : () -> ()
    %barrier3A = arith.constant 0 : index
    tpu.barrier barrier_id(%barrier3A)
    %lt3A = arith.constant 31 : i32
    %lt3A_3 = arith.cmpi slt, %add3A, %lt3A : i32
    %convert_element_type3A = arith.extui %lt3A_3 : i1 to i32
    %cond3A = arith.constant 0 : i32
    %cond3A_4 = arith.cmpi ne, %convert_element_type3A, %cond3A : i32
    scf.if %cond3A_4 {
      %mul3A_10 = arith.constant 80 : i32
      %mul3A_11 = arith.muli %add3A, %mul3A_10 : i32
      %run_scoped3A = arith.constant 0 : i32
      "tpu.region"() ({
        %run_scoped3A_220 = tpu.sem_alloc : memref<!tpu.dma_semaphore, #tpu.memory_space<semaphore_mem>>
        %dma_start3A_221 = arith.constant 0 : i32
        %dma_start3A_222 = arith.constant 0 : i32
        %dma_start3A_223 = tpu.memref_slice %arg6[%dma_start3A_221, %dma_start3A_222] : memref<40x128xi32, #tpu.memory_space<vmem>> -> memref<40x128xi32, #tpu.memory_space<vmem>>
        %dma_start3A_224 = arith.constant 0 : i32
        %dma_start3A_225 = tpu.memref_slice %arg3[%run_scoped3A, %mul3A_11, %dma_start3A_224] : memref<2x2500x128xi32, #tpu.memory_space<hbm>> -> memref<1x40x128xi32, #tpu.memory_space<hbm>>
        %dma_start3A_226 = tpu.memref_squeeze %dma_start3A_225 : memref<1x40x128xi32, #tpu.memory_space<hbm>> -> memref<40x128xi32, #tpu.memory_space<hbm>>
        %dma_start3A_227 = arith.constant 0 : i32
        %dma_start3A_228 = arith.constant 0 : i32
        %dma_start3A_229 = tpu.memref_slice %arg6[%dma_start3A_227, %dma_start3A_228] : memref<40x128xi32, #tpu.memory_space<vmem>> -> memref<40x128xi32, #tpu.memory_space<vmem>>
        %dma_start3A_230 = arith.constant 0 : i32
        %dma_start3A_231 = tpu.memref_slice %arg3[%run_scoped3A, %mul3A_11, %dma_start3A_230] : memref<2x2500x128xi32, #tpu.memory_space<hbm>> -> memref<1x40x128xi32, #tpu.memory_space<hbm>>
        %dma_start3A_232 = tpu.memref_squeeze %dma_start3A_231 : memref<1x40x128xi32, #tpu.memory_space<hbm>> -> memref<40x128xi32, #tpu.memory_space<hbm>>
        tpu.enqueue_dma source(%dma_start3A_232 : memref<40x128xi32, #tpu.memory_space<hbm>>) target(%dma_start3A_229 : memref<40x128xi32, #tpu.memory_space<vmem>>) target_semaphore(%run_scoped3A_220 : memref<!tpu.dma_semaphore, #tpu.memory_space<semaphore_mem>>)
        %dma_wait3A_233 = arith.constant 0 : i32
        %dma_wait3A_234 = arith.constant 0 : i32
        %dma_wait3A_235 = tpu.memref_slice %arg6[%dma_wait3A_233, %dma_wait3A_234] : memref<40x128xi32, #tpu.memory_space<vmem>> -> memref<40x128xi32, #tpu.memory_space<vmem>>
        %dma_wait3A_236 = arith.constant 0 : i32
        %dma_wait3A_237 = tpu.memref_slice %arg3[%run_scoped3A, %mul3A_11, %dma_wait3A_236] : memref<2x2500x128xi32, #tpu.memory_space<hbm>> -> memref<1x40x128xi32, #tpu.memory_space<hbm>>
        %dma_wait3A_238 = tpu.memref_squeeze %dma_wait3A_237 : memref<1x40x128xi32, #tpu.memory_space<hbm>> -> memref<40x128xi32, #tpu.memory_space<hbm>>
        %dma_wait3A_239 = arith.constant 0 : i32
        %dma_wait3A_240 = arith.constant 0 : i32
        %dma_wait3A_241 = tpu.memref_slice %arg6[%dma_wait3A_239, %dma_wait3A_240] : memref<40x128xi32, #tpu.memory_space<vmem>> -> memref<40x128xi32, #tpu.memory_space<vmem>>
        %dma_wait3A_242 = arith.constant 0 : i32
        %dma_wait3A_243 = tpu.memref_slice %arg3[%run_scoped3A, %mul3A_11, %dma_wait3A_242] : memref<2x2500x128xi32, #tpu.memory_space<hbm>> -> memref<1x40x128xi32, #tpu.memory_space<hbm>>
        %dma_wait3A_244 = tpu.memref_squeeze %dma_wait3A_243 : memref<1x40x128xi32, #tpu.memory_space<hbm>> -> memref<40x128xi32, #tpu.memory_space<hbm>>
        tpu.wait_dma2 semaphore(%run_scoped3A_220 : memref<!tpu.dma_semaphore, #tpu.memory_space<semaphore_mem>>) src(%dma_wait3A_244 : memref<40x128xi32, #tpu.memory_space<hbm>>) dst(%dma_wait3A_241 : memref<40x128xi32, #tpu.memory_space<vmem>>)
        tpu.yield
      }) : () -> ()
      %run_scoped3A_12 = arith.constant 1 : i32
      "tpu.region"() ({
        %run_scoped3A_220 = tpu.sem_alloc : memref<!tpu.dma_semaphore, #tpu.memory_space<semaphore_mem>>
        %dma_start3A_221 = arith.constant 0 : i32
        %dma_start3A_222 = arith.constant 0 : i32
        %dma_start3A_223 = tpu.memref_slice %arg7[%dma_start3A_221, %dma_start3A_222] : memref<40x128xi32, #tpu.memory_space<vmem>> -> memref<40x128xi32, #tpu.memory_space<vmem>>
        %dma_start3A_224 = arith.constant 0 : i32
        %dma_start3A_225 = tpu.memref_slice %arg3[%run_scoped3A_12, %mul3A_11, %dma_start3A_224] : memref<2x2500x128xi32, #tpu.memory_space<hbm>> -> memref<1x40x128xi32, #tpu.memory_space<hbm>>
        %dma_start3A_226 = tpu.memref_squeeze %dma_start3A_225 : memref<1x40x128xi32, #tpu.memory_space<hbm>> -> memref<40x128xi32, #tpu.memory_space<hbm>>
        %dma_start3A_227 = arith.constant 0 : i32
        %dma_start3A_228 = arith.constant 0 : i32
        %dma_start3A_229 = tpu.memref_slice %arg7[%dma_start3A_227, %dma_start3A_228] : memref<40x128xi32, #tpu.memory_space<vmem>> -> memref<40x128xi32, #tpu.memory_space<vmem>>
        %dma_start3A_230 = arith.constant 0 : i32
        %dma_start3A_231 = tpu.memref_slice %arg3[%run_scoped3A_12, %mul3A_11, %dma_start3A_230] : memref<2x2500x128xi32, #tpu.memory_space<hbm>> -> memref<1x40x128xi32, #tpu.memory_space<hbm>>
        %dma_start3A_232 = tpu.memref_squeeze %dma_start3A_231 : memref<1x40x128xi32, #tpu.memory_space<hbm>> -> memref<40x128xi32, #tpu.memory_space<hbm>>
        tpu.enqueue_dma source(%dma_start3A_232 : memref<40x128xi32, #tpu.memory_space<hbm>>) target(%dma_start3A_229 : memref<40x128xi32, #tpu.memory_space<vmem>>) target_semaphore(%run_scoped3A_220 : memref<!tpu.dma_semaphore, #tpu.memory_space<semaphore_mem>>)
        %dma_wait3A_233 = arith.constant 0 : i32
        %dma_wait3A_234 = arith.constant 0 : i32
        %dma_wait3A_235 = tpu.memref_slice %arg7[%dma_wait3A_233, %dma_wait3A_234] : memref<40x128xi32, #tpu.memory_space<vmem>> -> memref<40x128xi32, #tpu.memory_space<vmem>>
        %dma_wait3A_236 = arith.constant 0 : i32
        %dma_wait3A_237 = tpu.memref_slice %arg3[%run_scoped3A_12, %mul3A_11, %dma_wait3A_236] : memref<2x2500x128xi32, #tpu.memory_space<hbm>> -> memref<1x40x128xi32, #tpu.memory_space<hbm>>
        %dma_wait3A_238 = tpu.memref_squeeze %dma_wait3A_237 : memref<1x40x128xi32, #tpu.memory_space<hbm>> -> memref<40x128xi32, #tpu.memory_space<hbm>>
        %dma_wait3A_239 = arith.constant 0 : i32
        %dma_wait3A_240 = arith.constant 0 : i32
        %dma_wait3A_241 = tpu.memref_slice %arg7[%dma_wait3A_239, %dma_wait3A_240] : memref<40x128xi32, #tpu.memory_space<vmem>> -> memref<40x128xi32, #tpu.memory_space<vmem>>
        %dma_wait3A_242 = arith.constant 0 : i32
        %dma_wait3A_243 = tpu.memref_slice %arg3[%run_scoped3A_12, %mul3A_11, %dma_wait3A_242] : memref<2x2500x128xi32, #tpu.memory_space<hbm>> -> memref<1x40x128xi32, #tpu.memory_space<hbm>>
        %dma_wait3A_244 = tpu.memref_squeeze %dma_wait3A_243 : memref<1x40x128xi32, #tpu.memory_space<hbm>> -> memref<40x128xi32, #tpu.memory_space<hbm>>
        tpu.wait_dma2 semaphore(%run_scoped3A_220 : memref<!tpu.dma_semaphore, #tpu.memory_space<semaphore_mem>>) src(%dma_wait3A_244 : memref<40x128xi32, #tpu.memory_space<hbm>>) dst(%dma_wait3A_241 : memref<40x128xi32, #tpu.memory_space<vmem>>)
        tpu.yield
      }) : () -> ()
      %dma_start3A = arith.constant 0 : i32
      %dma_start3A_13 = arith.constant 0 : i32
      %dma_start3A_14 = arith.constant 0 : i32
      %dma_start3A_15 = arith.constant 0 : i32
      %dma_start3A_16 = tpu.memref_slice %arg8[%dma_start3A_13, %dma_start3A_14, %dma_start3A_15] : memref<2x128x128xf32, #tpu.memory_space<vmem>> -> memref<1x128x128xf32, #tpu.memory_space<vmem>>
      %dma_start3A_17 = tpu.memref_squeeze %dma_start3A_16 : memref<1x128x128xf32, #tpu.memory_space<vmem>> -> memref<128x128xf32, #tpu.memory_space<vmem>>
      %dma_start3A_18 = arith.constant 0 : i32
      %dma_start3A_19 = tpu.memref_slice %arg6[%dma_start3A, %dma_start3A_18] : memref<40x128xi32, #tpu.memory_space<vmem>> -> memref<1x128xi32, #tpu.memory_space<vmem>>
      %dma_start3A_20 = tpu.memref_squeeze %dma_start3A_19 : memref<1x128xi32, #tpu.memory_space<vmem>> -> memref<128xi32, #tpu.memory_space<vmem>>
      %dma_start3A_21 = arith.constant 0 : i32
      %dma_start3A_22 = arith.constant 0 : i32
      %dma_start3A_23 = tpu.memref_slice %arg2[%dma_start3A_21, %dma_start3A_22] : memref<10000x128xf32, #tpu.memory_space<hbm>> -> memref<10000x128xf32, #tpu.memory_space<hbm>>
      tpu.enqueue_indirect_dma source(%dma_start3A_23 : memref<10000x128xf32, #tpu.memory_space<hbm>>) target(%dma_start3A_17 : memref<128x128xf32, #tpu.memory_space<vmem>>) offsets(%dma_start3A_20 : memref<128xi32, #tpu.memory_space<vmem>>) semaphore(%arg10 : memref<!tpu.dma_semaphore, #tpu.memory_space<semaphore_mem>>)
      %dma_start3A_24 = arith.constant 1 : i32
      %dma_start3A_25 = arith.constant 1 : i32
      %dma_start3A_26 = arith.constant 0 : i32
      %dma_start3A_27 = arith.constant 0 : i32
      %dma_start3A_28 = tpu.memref_slice %arg8[%dma_start3A_25, %dma_start3A_26, %dma_start3A_27] : memref<2x128x128xf32, #tpu.memory_space<vmem>> -> memref<1x128x128xf32, #tpu.memory_space<vmem>>
      %dma_start3A_29 = tpu.memref_squeeze %dma_start3A_28 : memref<1x128x128xf32, #tpu.memory_space<vmem>> -> memref<128x128xf32, #tpu.memory_space<vmem>>
      %dma_start3A_30 = arith.constant 0 : i32
      %dma_start3A_31 = tpu.memref_slice %arg6[%dma_start3A_24, %dma_start3A_30] : memref<40x128xi32, #tpu.memory_space<vmem>> -> memref<1x128xi32, #tpu.memory_space<vmem>>
      %dma_start3A_32 = tpu.memref_squeeze %dma_start3A_31 : memref<1x128xi32, #tpu.memory_space<vmem>> -> memref<128xi32, #tpu.memory_space<vmem>>
      %dma_start3A_33 = arith.constant 0 : i32
      %dma_start3A_34 = arith.constant 0 : i32
      %dma_start3A_35 = tpu.memref_slice %arg2[%dma_start3A_33, %dma_start3A_34] : memref<10000x128xf32, #tpu.memory_space<hbm>> -> memref<10000x128xf32, #tpu.memory_space<hbm>>
      tpu.enqueue_indirect_dma source(%dma_start3A_35 : memref<10000x128xf32, #tpu.memory_space<hbm>>) target(%dma_start3A_29 : memref<128x128xf32, #tpu.memory_space<vmem>>) offsets(%dma_start3A_32 : memref<128xi32, #tpu.memory_space<vmem>>) semaphore(%arg10 : memref<!tpu.dma_semaphore, #tpu.memory_space<semaphore_mem>>)
      %dma_wait3A = arith.constant 0 : i32
      %dma_wait3A_36 = arith.constant 0 : i32
      %dma_wait3A_37 = arith.constant 0 : i32
      %dma_wait3A_38 = arith.constant 0 : i32
      %dma_wait3A_39 = tpu.memref_slice %arg8[%dma_wait3A_36, %dma_wait3A_37, %dma_wait3A_38] : memref<2x128x128xf32, #tpu.memory_space<vmem>> -> memref<1x128x128xf32, #tpu.memory_space<vmem>>
      %dma_wait3A_40 = tpu.memref_squeeze %dma_wait3A_39 : memref<1x128x128xf32, #tpu.memory_space<vmem>> -> memref<128x128xf32, #tpu.memory_space<vmem>>
      %dma_wait3A_41 = arith.constant 0 : i32
      %dma_wait3A_42 = tpu.memref_slice %arg6[%dma_wait3A, %dma_wait3A_41] : memref<40x128xi32, #tpu.memory_space<vmem>> -> memref<1x128xi32, #tpu.memory_space<vmem>>
      %dma_wait3A_43 = tpu.memref_squeeze %dma_wait3A_42 : memref<1x128xi32, #tpu.memory_space<vmem>> -> memref<128xi32, #tpu.memory_space<vmem>>
      %dma_wait3A_44 = arith.constant 0 : i32
      %dma_wait3A_45 = arith.constant 0 : i32
      %dma_wait3A_46 = tpu.memref_slice %arg2[%dma_wait3A_44, %dma_wait3A_45] : memref<10000x128xf32, #tpu.memory_space<hbm>> -> memref<10000x128xf32, #tpu.memory_space<hbm>>
      tpu.wait_indirect_dma semaphore(%arg10 : memref<!tpu.dma_semaphore, #tpu.memory_space<semaphore_mem>>) src(%dma_wait3A_46 : memref<10000x128xf32, #tpu.memory_space<hbm>>) dst(%dma_wait3A_40 : memref<128x128xf32, #tpu.memory_space<vmem>>)
      %dma_start3A_47 = arith.constant 0 : i32
      %dma_start3A_48 = arith.constant 0 : i32
      %dma_start3A_49 = arith.constant 0 : i32
      %dma_start3A_50 = arith.constant 0 : i32
      %dma_start3A_51 = tpu.memref_slice %arg8[%dma_start3A_47, %dma_start3A_49, %dma_start3A_50] : memref<2x128x128xf32, #tpu.memory_space<vmem>> -> memref<1x128x128xf32, #tpu.memory_space<vmem>>
      %dma_start3A_52 = tpu.memref_squeeze %dma_start3A_51 : memref<1x128x128xf32, #tpu.memory_space<vmem>> -> memref<128x128xf32, #tpu.memory_space<vmem>>
      %dma_start3A_53 = arith.constant 0 : i32
      %dma_start3A_54 = tpu.memref_slice %arg7[%dma_start3A_48, %dma_start3A_53] : memref<40x128xi32, #tpu.memory_space<vmem>> -> memref<1x128xi32, #tpu.memory_space<vmem>>
      %dma_start3A_55 = tpu.memref_squeeze %dma_start3A_54 : memref<1x128xi32, #tpu.memory_space<vmem>> -> memref<128xi32, #tpu.memory_space<vmem>>
      %dma_start3A_56 = arith.constant 0 : i32
      %dma_start3A_57 = arith.constant 0 : i32
      %dma_start3A_58 = tpu.memref_slice %arg9[%dma_start3A_56, %dma_start3A_57] : memref<10240x128xf32, #tpu.memory_space<vmem_shared>> -> memref<10240x128xf32, #tpu.memory_space<vmem_shared>>
      tpu.enqueue_indirect_dma source(%dma_start3A_52 : memref<128x128xf32, #tpu.memory_space<vmem>>) target(%dma_start3A_58 : memref<10240x128xf32, #tpu.memory_space<vmem_shared>>) offsets(%dma_start3A_55 : memref<128xi32, #tpu.memory_space<vmem>>) semaphore(%arg11 : memref<!tpu.dma_semaphore, #tpu.memory_space<semaphore_mem>>) {add = true}
      %scan3A = arith.constant 0 : i32
      %scan3A_59 = arith.constant 0 : i32
      %scan3A_60 = arith.constant 19 : i32
      %scan3A_61 = arith.addi %scan3A_59, %scan3A_60 : i32
      %scan3A_62 = arith.constant 1 : i32
      %scan3A_63 = scf.for %scan3A_220 = %scan3A_59 to %scan3A_61 step %scan3A_62 iter_args(%scan3A_221 = %scan3A) -> (i32)  : i32 {
        %mul3A_222 = arith.constant 2 : i32
        %mul3A_223 = arith.muli %mul3A_222, %scan3A_220 : i32
        %add3A_224 = arith.constant 1 : i32
        %add3A_225 = arith.addi %mul3A_223, %add3A_224 : i32
        %add3A_226 = arith.constant 0 : i32
        %add3A_227 = arith.addi %add3A_225, %add3A_226 : i32
        %sub3A = arith.constant 1 : i32
        %sub3A_228 = arith.subi %add3A_227, %sub3A : i32
        %dma_wait3A_229 = arith.constant 0 : i32
        %dma_wait3A_230 = arith.constant 0 : i32
        %dma_wait3A_231 = arith.constant 0 : i32
        %dma_wait3A_232 = tpu.memref_slice %arg8[%dma_wait3A_229, %dma_wait3A_230, %dma_wait3A_231] : memref<2x128x128xf32, #tpu.memory_space<vmem>> -> memref<1x128x128xf32, #tpu.memory_space<vmem>>
        %dma_wait3A_233 = tpu.memref_squeeze %dma_wait3A_232 : memref<1x128x128xf32, #tpu.memory_space<vmem>> -> memref<128x128xf32, #tpu.memory_space<vmem>>
        %dma_wait3A_234 = arith.constant 0 : i32
        %dma_wait3A_235 = tpu.memref_slice %arg7[%sub3A_228, %dma_wait3A_234] : memref<40x128xi32, #tpu.memory_space<vmem>> -> memref<1x128xi32, #tpu.memory_space<vmem>>
        %dma_wait3A_236 = tpu.memref_squeeze %dma_wait3A_235 : memref<1x128xi32, #tpu.memory_space<vmem>> -> memref<128xi32, #tpu.memory_space<vmem>>
        %dma_wait3A_237 = arith.constant 0 : i32
        %dma_wait3A_238 = arith.constant 0 : i32
        %dma_wait3A_239 = tpu.memref_slice %arg9[%dma_wait3A_237, %dma_wait3A_238] : memref<10240x128xf32, #tpu.memory_space<vmem_shared>> -> memref<10240x128xf32, #tpu.memory_space<vmem_shared>>
        tpu.wait_indirect_dma semaphore(%arg11 : memref<!tpu.dma_semaphore, #tpu.memory_space<semaphore_mem>>) src(%dma_wait3A_233 : memref<128x128xf32, #tpu.memory_space<vmem>>) dst(%dma_wait3A_239 : memref<10240x128xf32, #tpu.memory_space<vmem_shared>>)
        %add3A_240 = arith.constant 1 : i32
        %add3A_241 = arith.addi %add3A_227, %add3A_240 : i32
        %dma_start3A_242 = arith.constant 0 : i32
        %dma_start3A_243 = arith.constant 0 : i32
        %dma_start3A_244 = arith.constant 0 : i32
        %dma_start3A_245 = tpu.memref_slice %arg8[%dma_start3A_242, %dma_start3A_243, %dma_start3A_244] : memref<2x128x128xf32, #tpu.memory_space<vmem>> -> memref<1x128x128xf32, #tpu.memory_space<vmem>>
        %dma_start3A_246 = tpu.memref_squeeze %dma_start3A_245 : memref<1x128x128xf32, #tpu.memory_space<vmem>> -> memref<128x128xf32, #tpu.memory_space<vmem>>
        %dma_start3A_247 = arith.constant 0 : i32
        %dma_start3A_248 = tpu.memref_slice %arg6[%add3A_241, %dma_start3A_247] : memref<40x128xi32, #tpu.memory_space<vmem>> -> memref<1x128xi32, #tpu.memory_space<vmem>>
        %dma_start3A_249 = tpu.memref_squeeze %dma_start3A_248 : memref<1x128xi32, #tpu.memory_space<vmem>> -> memref<128xi32, #tpu.memory_space<vmem>>
        %dma_start3A_250 = arith.constant 0 : i32
        %dma_start3A_251 = arith.constant 0 : i32
        %dma_start3A_252 = tpu.memref_slice %arg2[%dma_start3A_250, %dma_start3A_251] : memref<10000x128xf32, #tpu.memory_space<hbm>> -> memref<10000x128xf32, #tpu.memory_space<hbm>>
        tpu.enqueue_indirect_dma source(%dma_start3A_252 : memref<10000x128xf32, #tpu.memory_space<hbm>>) target(%dma_start3A_246 : memref<128x128xf32, #tpu.memory_space<vmem>>) offsets(%dma_start3A_249 : memref<128xi32, #tpu.memory_space<vmem>>) semaphore(%arg10 : memref<!tpu.dma_semaphore, #tpu.memory_space<semaphore_mem>>)
        %dma_wait3A_253 = arith.constant 1 : i32
        %dma_wait3A_254 = arith.constant 0 : i32
        %dma_wait3A_255 = arith.constant 0 : i32
        %dma_wait3A_256 = tpu.memref_slice %arg8[%dma_wait3A_253, %dma_wait3A_254, %dma_wait3A_255] : memref<2x128x128xf32, #tpu.memory_space<vmem>> -> memref<1x128x128xf32, #tpu.memory_space<vmem>>
        %dma_wait3A_257 = tpu.memref_squeeze %dma_wait3A_256 : memref<1x128x128xf32, #tpu.memory_space<vmem>> -> memref<128x128xf32, #tpu.memory_space<vmem>>
        %dma_wait3A_258 = arith.constant 0 : i32
        %dma_wait3A_259 = tpu.memref_slice %arg6[%add3A_227, %dma_wait3A_258] : memref<40x128xi32, #tpu.memory_space<vmem>> -> memref<1x128xi32, #tpu.memory_space<vmem>>
        %dma_wait3A_260 = tpu.memref_squeeze %dma_wait3A_259 : memref<1x128xi32, #tpu.memory_space<vmem>> -> memref<128xi32, #tpu.memory_space<vmem>>
        %dma_wait3A_261 = arith.constant 0 : i32
        %dma_wait3A_262 = arith.constant 0 : i32
        %dma_wait3A_263 = tpu.memref_slice %arg2[%dma_wait3A_261, %dma_wait3A_262] : memref<10000x128xf32, #tpu.memory_space<hbm>> -> memref<10000x128xf32, #tpu.memory_space<hbm>>
        tpu.wait_indirect_dma semaphore(%arg10 : memref<!tpu.dma_semaphore, #tpu.memory_space<semaphore_mem>>) src(%dma_wait3A_263 : memref<10000x128xf32, #tpu.memory_space<hbm>>) dst(%dma_wait3A_257 : memref<128x128xf32, #tpu.memory_space<vmem>>)
        %dma_start3A_264 = arith.constant 1 : i32
        %dma_start3A_265 = arith.constant 0 : i32
        %dma_start3A_266 = arith.constant 0 : i32
        %dma_start3A_267 = tpu.memref_slice %arg8[%dma_start3A_264, %dma_start3A_265, %dma_start3A_266] : memref<2x128x128xf32, #tpu.memory_space<vmem>> -> memref<1x128x128xf32, #tpu.memory_space<vmem>>
        %dma_start3A_268 = tpu.memref_squeeze %dma_start3A_267 : memref<1x128x128xf32, #tpu.memory_space<vmem>> -> memref<128x128xf32, #tpu.memory_space<vmem>>
        %dma_start3A_269 = arith.constant 0 : i32
        %dma_start3A_270 = tpu.memref_slice %arg7[%add3A_227, %dma_start3A_269] : memref<40x128xi32, #tpu.memory_space<vmem>> -> memref<1x128xi32, #tpu.memory_space<vmem>>
        %dma_start3A_271 = tpu.memref_squeeze %dma_start3A_270 : memref<1x128xi32, #tpu.memory_space<vmem>> -> memref<128xi32, #tpu.memory_space<vmem>>
        %dma_start3A_272 = arith.constant 0 : i32
        %dma_start3A_273 = arith.constant 0 : i32
        %dma_start3A_274 = tpu.memref_slice %arg9[%dma_start3A_272, %dma_start3A_273] : memref<10240x128xf32, #tpu.memory_space<vmem_shared>> -> memref<10240x128xf32, #tpu.memory_space<vmem_shared>>
        tpu.enqueue_indirect_dma source(%dma_start3A_268 : memref<128x128xf32, #tpu.memory_space<vmem>>) target(%dma_start3A_274 : memref<10240x128xf32, #tpu.memory_space<vmem_shared>>) offsets(%dma_start3A_271 : memref<128xi32, #tpu.memory_space<vmem>>) semaphore(%arg11 : memref<!tpu.dma_semaphore, #tpu.memory_space<semaphore_mem>>) {add = true}
        %mul3A_275 = arith.constant 2 : i32
        %mul3A_276 = arith.muli %mul3A_275, %scan3A_220 : i32
        %add3A_277 = arith.constant 1 : i32
        %add3A_278 = arith.addi %mul3A_276, %add3A_277 : i32
        %add3A_279 = arith.constant 1 : i32
        %add3A_280 = arith.addi %add3A_278, %add3A_279 : i32
        %sub3A_281 = arith.constant 1 : i32
        %sub3A_282 = arith.subi %add3A_280, %sub3A_281 : i32
        %dma_wait3A_283 = arith.constant 1 : i32
        %dma_wait3A_284 = arith.constant 0 : i32
        %dma_wait3A_285 = arith.constant 0 : i32
        %dma_wait3A_286 = tpu.memref_slice %arg8[%dma_wait3A_283, %dma_wait3A_284, %dma_wait3A_285] : memref<2x128x128xf32, #tpu.memory_space<vmem>> -> memref<1x128x128xf32, #tpu.memory_space<vmem>>
        %dma_wait3A_287 = tpu.memref_squeeze %dma_wait3A_286 : memref<1x128x128xf32, #tpu.memory_space<vmem>> -> memref<128x128xf32, #tpu.memory_space<vmem>>
        %dma_wait3A_288 = arith.constant 0 : i32
        %dma_wait3A_289 = tpu.memref_slice %arg7[%sub3A_282, %dma_wait3A_288] : memref<40x128xi32, #tpu.memory_space<vmem>> -> memref<1x128xi32, #tpu.memory_space<vmem>>
        %dma_wait3A_290 = tpu.memref_squeeze %dma_wait3A_289 : memref<1x128xi32, #tpu.memory_space<vmem>> -> memref<128xi32, #tpu.memory_space<vmem>>
        %dma_wait3A_291 = arith.constant 0 : i32
        %dma_wait3A_292 = arith.constant 0 : i32
        %dma_wait3A_293 = tpu.memref_slice %arg9[%dma_wait3A_291, %dma_wait3A_292] : memref<10240x128xf32, #tpu.memory_space<vmem_shared>> -> memref<10240x128xf32, #tpu.memory_space<vmem_shared>>
        tpu.wait_indirect_dma semaphore(%arg11 : memref<!tpu.dma_semaphore, #tpu.memory_space<semaphore_mem>>) src(%dma_wait3A_287 : memref<128x128xf32, #tpu.memory_space<vmem>>) dst(%dma_wait3A_293 : memref<10240x128xf32, #tpu.memory_space<vmem_shared>>)
        %add3A_294 = arith.constant 1 : i32
        %add3A_295 = arith.addi %add3A_280, %add3A_294 : i32
        %dma_start3A_296 = arith.constant 1 : i32
        %dma_start3A_297 = arith.constant 0 : i32
        %dma_start3A_298 = arith.constant 0 : i32
        %dma_start3A_299 = tpu.memref_slice %arg8[%dma_start3A_296, %dma_start3A_297, %dma_start3A_298] : memref<2x128x128xf32, #tpu.memory_space<vmem>> -> memref<1x128x128xf32, #tpu.memory_space<vmem>>
        %dma_start3A_300 = tpu.memref_squeeze %dma_start3A_299 : memref<1x128x128xf32, #tpu.memory_space<vmem>> -> memref<128x128xf32, #tpu.memory_space<vmem>>
        %dma_start3A_301 = arith.constant 0 : i32
        %dma_start3A_302 = tpu.memref_slice %arg6[%add3A_295, %dma_start3A_301] : memref<40x128xi32, #tpu.memory_space<vmem>> -> memref<1x128xi32, #tpu.memory_space<vmem>>
        %dma_start3A_303 = tpu.memref_squeeze %dma_start3A_302 : memref<1x128xi32, #tpu.memory_space<vmem>> -> memref<128xi32, #tpu.memory_space<vmem>>
        %dma_start3A_304 = arith.constant 0 : i32
        %dma_start3A_305 = arith.constant 0 : i32
        %dma_start3A_306 = tpu.memref_slice %arg2[%dma_start3A_304, %dma_start3A_305] : memref<10000x128xf32, #tpu.memory_space<hbm>> -> memref<10000x128xf32, #tpu.memory_space<hbm>>
        tpu.enqueue_indirect_dma source(%dma_start3A_306 : memref<10000x128xf32, #tpu.memory_space<hbm>>) target(%dma_start3A_300 : memref<128x128xf32, #tpu.memory_space<vmem>>) offsets(%dma_start3A_303 : memref<128xi32, #tpu.memory_space<vmem>>) semaphore(%arg10 : memref<!tpu.dma_semaphore, #tpu.memory_space<semaphore_mem>>)
        %dma_wait3A_307 = arith.constant 0 : i32
        %dma_wait3A_308 = arith.constant 0 : i32
        %dma_wait3A_309 = arith.constant 0 : i32
        %dma_wait3A_310 = tpu.memref_slice %arg8[%dma_wait3A_307, %dma_wait3A_308, %dma_wait3A_309] : memref<2x128x128xf32, #tpu.memory_space<vmem>> -> memref<1x128x128xf32, #tpu.memory_space<vmem>>
        %dma_wait3A_311 = tpu.memref_squeeze %dma_wait3A_310 : memref<1x128x128xf32, #tpu.memory_space<vmem>> -> memref<128x128xf32, #tpu.memory_space<vmem>>
        %dma_wait3A_312 = arith.constant 0 : i32
        %dma_wait3A_313 = tpu.memref_slice %arg6[%add3A_280, %dma_wait3A_312] : memref<40x128xi32, #tpu.memory_space<vmem>> -> memref<1x128xi32, #tpu.memory_space<vmem>>
        %dma_wait3A_314 = tpu.memref_squeeze %dma_wait3A_313 : memref<1x128xi32, #tpu.memory_space<vmem>> -> memref<128xi32, #tpu.memory_space<vmem>>
        %dma_wait3A_315 = arith.constant 0 : i32
        %dma_wait3A_316 = arith.constant 0 : i32
        %dma_wait3A_317 = tpu.memref_slice %arg2[%dma_wait3A_315, %dma_wait3A_316] : memref<10000x128xf32, #tpu.memory_space<hbm>> -> memref<10000x128xf32, #tpu.memory_space<hbm>>
        tpu.wait_indirect_dma semaphore(%arg10 : memref<!tpu.dma_semaphore, #tpu.memory_space<semaphore_mem>>) src(%dma_wait3A_317 : memref<10000x128xf32, #tpu.memory_space<hbm>>) dst(%dma_wait3A_311 : memref<128x128xf32, #tpu.memory_space<vmem>>)
        %dma_start3A_318 = arith.constant 0 : i32
        %dma_start3A_319 = arith.constant 0 : i32
        %dma_start3A_320 = arith.constant 0 : i32
        %dma_start3A_321 = tpu.memref_slice %arg8[%dma_start3A_318, %dma_start3A_319, %dma_start3A_320] : memref<2x128x128xf32, #tpu.memory_space<vmem>> -> memref<1x128x128xf32, #tpu.memory_space<vmem>>
        %dma_start3A_322 = tpu.memref_squeeze %dma_start3A_321 : memref<1x128x128xf32, #tpu.memory_space<vmem>> -> memref<128x128xf32, #tpu.memory_space<vmem>>
        %dma_start3A_323 = arith.constant 0 : i32
        %dma_start3A_324 = tpu.memref_slice %arg7[%add3A_280, %dma_start3A_323] : memref<40x128xi32, #tpu.memory_space<vmem>> -> memref<1x128xi32, #tpu.memory_space<vmem>>
        %dma_start3A_325 = tpu.memref_squeeze %dma_start3A_324 : memref<1x128xi32, #tpu.memory_space<vmem>> -> memref<128xi32, #tpu.memory_space<vmem>>
        %dma_start3A_326 = arith.constant 0 : i32
        %dma_start3A_327 = arith.constant 0 : i32
        %dma_start3A_328 = tpu.memref_slice %arg9[%dma_start3A_326, %dma_start3A_327] : memref<10240x128xf32, #tpu.memory_space<vmem_shared>> -> memref<10240x128xf32, #tpu.memory_space<vmem_shared>>
        tpu.enqueue_indirect_dma source(%dma_start3A_322 : memref<128x128xf32, #tpu.memory_space<vmem>>) target(%dma_start3A_328 : memref<10240x128xf32, #tpu.memory_space<vmem_shared>>) offsets(%dma_start3A_325 : memref<128xi32, #tpu.memory_space<vmem>>) semaphore(%arg11 : memref<!tpu.dma_semaphore, #tpu.memory_space<semaphore_mem>>) {add = true}
        %scan3A_329 = arith.constant 0 : i32
        scf.yield %scan3A_329 : i32
      }
      %scan3A_64 = arith.constant 19 : i32
      %dma_wait3A_65 = arith.constant 39 : i32
      %dma_wait3A_66 = arith.constant 1 : i32
      %dma_wait3A_67 = arith.constant 0 : i32
      %dma_wait3A_68 = arith.constant 0 : i32
      %dma_wait3A_69 = tpu.memref_slice %arg8[%dma_wait3A_66, %dma_wait3A_67, %dma_wait3A_68] : memref<2x128x128xf32, #tpu.memory_space<vmem>> -> memref<1x128x128xf32, #tpu.memory_space<vmem>>
      %dma_wait3A_70 = tpu.memref_squeeze %dma_wait3A_69 : memref<1x128x128xf32, #tpu.memory_space<vmem>> -> memref<128x128xf32, #tpu.memory_space<vmem>>
      %dma_wait3A_71 = arith.constant 0 : i32
      %dma_wait3A_72 = tpu.memref_slice %arg6[%dma_wait3A_65, %dma_wait3A_71] : memref<40x128xi32, #tpu.memory_space<vmem>> -> memref<1x128xi32, #tpu.memory_space<vmem>>
      %dma_wait3A_73 = tpu.memref_squeeze %dma_wait3A_72 : memref<1x128xi32, #tpu.memory_space<vmem>> -> memref<128xi32, #tpu.memory_space<vmem>>
      %dma_wait3A_74 = arith.constant 0 : i32
      %dma_wait3A_75 = arith.constant 0 : i32
      %dma_wait3A_76 = tpu.memref_slice %arg2[%dma_wait3A_74, %dma_wait3A_75] : memref<10000x128xf32, #tpu.memory_space<hbm>> -> memref<10000x128xf32, #tpu.memory_space<hbm>>
      tpu.wait_indirect_dma semaphore(%arg10 : memref<!tpu.dma_semaphore, #tpu.memory_space<semaphore_mem>>) src(%dma_wait3A_76 : memref<10000x128xf32, #tpu.memory_space<hbm>>) dst(%dma_wait3A_70 : memref<128x128xf32, #tpu.memory_space<vmem>>)
      %dma_start3A_77 = arith.constant 1 : i32
      %dma_start3A_78 = arith.constant 39 : i32
      %dma_start3A_79 = arith.constant 0 : i32
      %dma_start3A_80 = arith.constant 0 : i32
      %dma_start3A_81 = tpu.memref_slice %arg8[%dma_start3A_77, %dma_start3A_79, %dma_start3A_80] : memref<2x128x128xf32, #tpu.memory_space<vmem>> -> memref<1x128x128xf32, #tpu.memory_space<vmem>>
      %dma_start3A_82 = tpu.memref_squeeze %dma_start3A_81 : memref<1x128x128xf32, #tpu.memory_space<vmem>> -> memref<128x128xf32, #tpu.memory_space<vmem>>
      %dma_start3A_83 = arith.constant 0 : i32
      %dma_start3A_84 = tpu.memref_slice %arg7[%dma_start3A_78, %dma_start3A_83] : memref<40x128xi32, #tpu.memory_space<vmem>> -> memref<1x128xi32, #tpu.memory_space<vmem>>
      %dma_start3A_85 = tpu.memref_squeeze %dma_start3A_84 : memref<1x128xi32, #tpu.memory_space<vmem>> -> memref<128xi32, #tpu.memory_space<vmem>>
      %dma_start3A_86 = arith.constant 0 : i32
      %dma_start3A_87 = arith.constant 0 : i32
      %dma_start3A_88 = tpu.memref_slice %arg9[%dma_start3A_86, %dma_start3A_87] : memref<10240x128xf32, #tpu.memory_space<vmem_shared>> -> memref<10240x128xf32, #tpu.memory_space<vmem_shared>>
      tpu.enqueue_indirect_dma source(%dma_start3A_82 : memref<128x128xf32, #tpu.memory_space<vmem>>) target(%dma_start3A_88 : memref<10240x128xf32, #tpu.memory_space<vmem_shared>>) offsets(%dma_start3A_85 : memref<128xi32, #tpu.memory_space<vmem>>) semaphore(%arg11 : memref<!tpu.dma_semaphore, #tpu.memory_space<semaphore_mem>>) {add = true}
      %dma_wait3A_89 = arith.constant 0 : i32
      %dma_wait3A_90 = arith.constant 38 : i32
      %dma_wait3A_91 = arith.constant 0 : i32
      %dma_wait3A_92 = arith.constant 0 : i32
      %dma_wait3A_93 = tpu.memref_slice %arg8[%dma_wait3A_89, %dma_wait3A_91, %dma_wait3A_92] : memref<2x128x128xf32, #tpu.memory_space<vmem>> -> memref<1x128x128xf32, #tpu.memory_space<vmem>>
      %dma_wait3A_94 = tpu.memref_squeeze %dma_wait3A_93 : memref<1x128x128xf32, #tpu.memory_space<vmem>> -> memref<128x128xf32, #tpu.memory_space<vmem>>
      %dma_wait3A_95 = arith.constant 0 : i32
      %dma_wait3A_96 = tpu.memref_slice %arg7[%dma_wait3A_90, %dma_wait3A_95] : memref<40x128xi32, #tpu.memory_space<vmem>> -> memref<1x128xi32, #tpu.memory_space<vmem>>
      %dma_wait3A_97 = tpu.memref_squeeze %dma_wait3A_96 : memref<1x128xi32, #tpu.memory_space<vmem>> -> memref<128xi32, #tpu.memory_space<vmem>>
      %dma_wait3A_98 = arith.constant 0 : i32
      %dma_wait3A_99 = arith.constant 0 : i32
      %dma_wait3A_100 = tpu.memref_slice %arg9[%dma_wait3A_98, %dma_wait3A_99] : memref<10240x128xf32, #tpu.memory_space<vmem_shared>> -> memref<10240x128xf32, #tpu.memory_space<vmem_shared>>
      tpu.wait_indirect_dma semaphore(%arg11 : memref<!tpu.dma_semaphore, #tpu.memory_space<semaphore_mem>>) src(%dma_wait3A_94 : memref<128x128xf32, #tpu.memory_space<vmem>>) dst(%dma_wait3A_100 : memref<10240x128xf32, #tpu.memory_space<vmem_shared>>)
      %dma_wait3A_101 = arith.constant 1 : i32
      %dma_wait3A_102 = arith.constant 39 : i32
      %dma_wait3A_103 = arith.constant 0 : i32
      %dma_wait3A_104 = arith.constant 0 : i32
      %dma_wait3A_105 = tpu.memref_slice %arg8[%dma_wait3A_101, %dma_wait3A_103, %dma_wait3A_104] : memref<2x128x128xf32, #tpu.memory_space<vmem>> -> memref<1x128x128xf32, #tpu.memory_space<vmem>>
      %dma_wait3A_106 = tpu.memref_squeeze %dma_wait3A_105 : memref<1x128x128xf32, #tpu.memory_space<vmem>> -> memref<128x128xf32, #tpu.memory_space<vmem>>
      %dma_wait3A_107 = arith.constant 0 : i32
      %dma_wait3A_108 = tpu.memref_slice %arg7[%dma_wait3A_102, %dma_wait3A_107] : memref<40x128xi32, #tpu.memory_space<vmem>> -> memref<1x128xi32, #tpu.memory_space<vmem>>
      %dma_wait3A_109 = tpu.memref_squeeze %dma_wait3A_108 : memref<1x128xi32, #tpu.memory_space<vmem>> -> memref<128xi32, #tpu.memory_space<vmem>>
      %dma_wait3A_110 = arith.constant 0 : i32
      %dma_wait3A_111 = arith.constant 0 : i32
      %dma_wait3A_112 = tpu.memref_slice %arg9[%dma_wait3A_110, %dma_wait3A_111] : memref<10240x128xf32, #tpu.memory_space<vmem_shared>> -> memref<10240x128xf32, #tpu.memory_space<vmem_shared>>
      tpu.wait_indirect_dma semaphore(%arg11 : memref<!tpu.dma_semaphore, #tpu.memory_space<semaphore_mem>>) src(%dma_wait3A_106 : memref<128x128xf32, #tpu.memory_space<vmem>>) dst(%dma_wait3A_112 : memref<10240x128xf32, #tpu.memory_space<vmem_shared>>)
      %add3A_113 = arith.constant 40 : i32
      %add3A_114 = arith.addi %mul3A_11, %add3A_113 : i32
      %run_scoped3A_115 = arith.constant 0 : i32
      "tpu.region"() ({
        %run_scoped3A_220 = tpu.sem_alloc : memref<!tpu.dma_semaphore, #tpu.memory_space<semaphore_mem>>
        %dma_start3A_221 = arith.constant 0 : i32
        %dma_start3A_222 = arith.constant 0 : i32
        %dma_start3A_223 = tpu.memref_slice %arg6[%dma_start3A_221, %dma_start3A_222] : memref<40x128xi32, #tpu.memory_space<vmem>> -> memref<40x128xi32, #tpu.memory_space<vmem>>
        %dma_start3A_224 = arith.constant 0 : i32
        %dma_start3A_225 = tpu.memref_slice %arg3[%run_scoped3A_115, %add3A_114, %dma_start3A_224] : memref<2x2500x128xi32, #tpu.memory_space<hbm>> -> memref<1x40x128xi32, #tpu.memory_space<hbm>>
        %dma_start3A_226 = tpu.memref_squeeze %dma_start3A_225 : memref<1x40x128xi32, #tpu.memory_space<hbm>> -> memref<40x128xi32, #tpu.memory_space<hbm>>
        %dma_start3A_227 = arith.constant 0 : i32
        %dma_start3A_228 = arith.constant 0 : i32
        %dma_start3A_229 = tpu.memref_slice %arg6[%dma_start3A_227, %dma_start3A_228] : memref<40x128xi32, #tpu.memory_space<vmem>> -> memref<40x128xi32, #tpu.memory_space<vmem>>
        %dma_start3A_230 = arith.constant 0 : i32
        %dma_start3A_231 = tpu.memref_slice %arg3[%run_scoped3A_115, %add3A_114, %dma_start3A_230] : memref<2x2500x128xi32, #tpu.memory_space<hbm>> -> memref<1x40x128xi32, #tpu.memory_space<hbm>>
        %dma_start3A_232 = tpu.memref_squeeze %dma_start3A_231 : memref<1x40x128xi32, #tpu.memory_space<hbm>> -> memref<40x128xi32, #tpu.memory_space<hbm>>
        tpu.enqueue_dma source(%dma_start3A_232 : memref<40x128xi32, #tpu.memory_space<hbm>>) target(%dma_start3A_229 : memref<40x128xi32, #tpu.memory_space<vmem>>) target_semaphore(%run_scoped3A_220 : memref<!tpu.dma_semaphore, #tpu.memory_space<semaphore_mem>>)
        %dma_wait3A_233 = arith.constant 0 : i32
        %dma_wait3A_234 = arith.constant 0 : i32
        %dma_wait3A_235 = tpu.memref_slice %arg6[%dma_wait3A_233, %dma_wait3A_234] : memref<40x128xi32, #tpu.memory_space<vmem>> -> memref<40x128xi32, #tpu.memory_space<vmem>>
        %dma_wait3A_236 = arith.constant 0 : i32
        %dma_wait3A_237 = tpu.memref_slice %arg3[%run_scoped3A_115, %add3A_114, %dma_wait3A_236] : memref<2x2500x128xi32, #tpu.memory_space<hbm>> -> memref<1x40x128xi32, #tpu.memory_space<hbm>>
        %dma_wait3A_238 = tpu.memref_squeeze %dma_wait3A_237 : memref<1x40x128xi32, #tpu.memory_space<hbm>> -> memref<40x128xi32, #tpu.memory_space<hbm>>
        %dma_wait3A_239 = arith.constant 0 : i32
        %dma_wait3A_240 = arith.constant 0 : i32
        %dma_wait3A_241 = tpu.memref_slice %arg6[%dma_wait3A_239, %dma_wait3A_240] : memref<40x128xi32, #tpu.memory_space<vmem>> -> memref<40x128xi32, #tpu.memory_space<vmem>>
        %dma_wait3A_242 = arith.constant 0 : i32
        %dma_wait3A_243 = tpu.memref_slice %arg3[%run_scoped3A_115, %add3A_114, %dma_wait3A_242] : memref<2x2500x128xi32, #tpu.memory_space<hbm>> -> memref<1x40x128xi32, #tpu.memory_space<hbm>>
        %dma_wait3A_244 = tpu.memref_squeeze %dma_wait3A_243 : memref<1x40x128xi32, #tpu.memory_space<hbm>> -> memref<40x128xi32, #tpu.memory_space<hbm>>
        tpu.wait_dma2 semaphore(%run_scoped3A_220 : memref<!tpu.dma_semaphore, #tpu.memory_space<semaphore_mem>>) src(%dma_wait3A_244 : memref<40x128xi32, #tpu.memory_space<hbm>>) dst(%dma_wait3A_241 : memref<40x128xi32, #tpu.memory_space<vmem>>)
        tpu.yield
      }) : () -> ()
      %run_scoped3A_116 = arith.constant 1 : i32
      "tpu.region"() ({
        %run_scoped3A_220 = tpu.sem_alloc : memref<!tpu.dma_semaphore, #tpu.memory_space<semaphore_mem>>
        %dma_start3A_221 = arith.constant 0 : i32
        %dma_start3A_222 = arith.constant 0 : i32
        %dma_start3A_223 = tpu.memref_slice %arg7[%dma_start3A_221, %dma_start3A_222] : memref<40x128xi32, #tpu.memory_space<vmem>> -> memref<40x128xi32, #tpu.memory_space<vmem>>
        %dma_start3A_224 = arith.constant 0 : i32
        %dma_start3A_225 = tpu.memref_slice %arg3[%run_scoped3A_116, %add3A_114, %dma_start3A_224] : memref<2x2500x128xi32, #tpu.memory_space<hbm>> -> memref<1x40x128xi32, #tpu.memory_space<hbm>>
        %dma_start3A_226 = tpu.memref_squeeze %dma_start3A_225 : memref<1x40x128xi32, #tpu.memory_space<hbm>> -> memref<40x128xi32, #tpu.memory_space<hbm>>
        %dma_start3A_227 = arith.constant 0 : i32
        %dma_start3A_228 = arith.constant 0 : i32
        %dma_start3A_229 = tpu.memref_slice %arg7[%dma_start3A_227, %dma_start3A_228] : memref<40x128xi32, #tpu.memory_space<vmem>> -> memref<40x128xi32, #tpu.memory_space<vmem>>
        %dma_start3A_230 = arith.constant 0 : i32
        %dma_start3A_231 = tpu.memref_slice %arg3[%run_scoped3A_116, %add3A_114, %dma_start3A_230] : memref<2x2500x128xi32, #tpu.memory_space<hbm>> -> memref<1x40x128xi32, #tpu.memory_space<hbm>>
        %dma_start3A_232 = tpu.memref_squeeze %dma_start3A_231 : memref<1x40x128xi32, #tpu.memory_space<hbm>> -> memref<40x128xi32, #tpu.memory_space<hbm>>
        tpu.enqueue_dma source(%dma_start3A_232 : memref<40x128xi32, #tpu.memory_space<hbm>>) target(%dma_start3A_229 : memref<40x128xi32, #tpu.memory_space<vmem>>) target_semaphore(%run_scoped3A_220 : memref<!tpu.dma_semaphore, #tpu.memory_space<semaphore_mem>>)
        %dma_wait3A_233 = arith.constant 0 : i32
        %dma_wait3A_234 = arith.constant 0 : i32
        %dma_wait3A_235 = tpu.memref_slice %arg7[%dma_wait3A_233, %dma_wait3A_234] : memref<40x128xi32, #tpu.memory_space<vmem>> -> memref<40x128xi32, #tpu.memory_space<vmem>>
        %dma_wait3A_236 = arith.constant 0 : i32
        %dma_wait3A_237 = tpu.memref_slice %arg3[%run_scoped3A_116, %add3A_114, %dma_wait3A_236] : memref<2x2500x128xi32, #tpu.memory_space<hbm>> -> memref<1x40x128xi32, #tpu.memory_space<hbm>>
        %dma_wait3A_238 = tpu.memref_squeeze %dma_wait3A_237 : memref<1x40x128xi32, #tpu.memory_space<hbm>> -> memref<40x128xi32, #tpu.memory_space<hbm>>
        %dma_wait3A_239 = arith.constant 0 : i32
        %dma_wait3A_240 = arith.constant 0 : i32
        %dma_wait3A_241 = tpu.memref_slice %arg7[%dma_wait3A_239, %dma_wait3A_240] : memref<40x128xi32, #tpu.memory_space<vmem>> -> memref<40x128xi32, #tpu.memory_space<vmem>>
        %dma_wait3A_242 = arith.constant 0 : i32
        %dma_wait3A_243 = tpu.memref_slice %arg3[%run_scoped3A_116, %add3A_114, %dma_wait3A_242] : memref<2x2500x128xi32, #tpu.memory_space<hbm>> -> memref<1x40x128xi32, #tpu.memory_space<hbm>>
        %dma_wait3A_244 = tpu.memref_squeeze %dma_wait3A_243 : memref<1x40x128xi32, #tpu.memory_space<hbm>> -> memref<40x128xi32, #tpu.memory_space<hbm>>
        tpu.wait_dma2 semaphore(%run_scoped3A_220 : memref<!tpu.dma_semaphore, #tpu.memory_space<semaphore_mem>>) src(%dma_wait3A_244 : memref<40x128xi32, #tpu.memory_space<hbm>>) dst(%dma_wait3A_241 : memref<40x128xi32, #tpu.memory_space<vmem>>)
        tpu.yield
      }) : () -> ()
      %dma_start3A_117 = arith.constant 0 : i32
      %dma_start3A_118 = arith.constant 0 : i32
      %dma_start3A_119 = arith.constant 0 : i32
      %dma_start3A_120 = arith.constant 0 : i32
      %dma_start3A_121 = tpu.memref_slice %arg8[%dma_start3A_118, %dma_start3A_119, %dma_start3A_120] : memref<2x128x128xf32, #tpu.memory_space<vmem>> -> memref<1x128x128xf32, #tpu.memory_space<vmem>>
      %dma_start3A_122 = tpu.memref_squeeze %dma_start3A_121 : memref<1x128x128xf32, #tpu.memory_space<vmem>> -> memref<128x128xf32, #tpu.memory_space<vmem>>
      %dma_start3A_123 = arith.constant 0 : i32
      %dma_start3A_124 = tpu.memref_slice %arg6[%dma_start3A_117, %dma_start3A_123] : memref<40x128xi32, #tpu.memory_space<vmem>> -> memref<1x128xi32, #tpu.memory_space<vmem>>
      %dma_start3A_125 = tpu.memref_squeeze %dma_start3A_124 : memref<1x128xi32, #tpu.memory_space<vmem>> -> memref<128xi32, #tpu.memory_space<vmem>>
      %dma_start3A_126 = arith.constant 0 : i32
      %dma_start3A_127 = arith.constant 0 : i32
      %dma_start3A_128 = tpu.memref_slice %arg2[%dma_start3A_126, %dma_start3A_127] : memref<10000x128xf32, #tpu.memory_space<hbm>> -> memref<10000x128xf32, #tpu.memory_space<hbm>>
      tpu.enqueue_indirect_dma source(%dma_start3A_128 : memref<10000x128xf32, #tpu.memory_space<hbm>>) target(%dma_start3A_122 : memref<128x128xf32, #tpu.memory_space<vmem>>) offsets(%dma_start3A_125 : memref<128xi32, #tpu.memory_space<vmem>>) semaphore(%arg10 : memref<!tpu.dma_semaphore, #tpu.memory_space<semaphore_mem>>)
      %dma_start3A_129 = arith.constant 1 : i32
      %dma_start3A_130 = arith.constant 1 : i32
      %dma_start3A_131 = arith.constant 0 : i32
      %dma_start3A_132 = arith.constant 0 : i32
      %dma_start3A_133 = tpu.memref_slice %arg8[%dma_start3A_130, %dma_start3A_131, %dma_start3A_132] : memref<2x128x128xf32, #tpu.memory_space<vmem>> -> memref<1x128x128xf32, #tpu.memory_space<vmem>>
      %dma_start3A_134 = tpu.memref_squeeze %dma_start3A_133 : memref<1x128x128xf32, #tpu.memory_space<vmem>> -> memref<128x128xf32, #tpu.memory_space<vmem>>
      %dma_start3A_135 = arith.constant 0 : i32
      %dma_start3A_136 = tpu.memref_slice %arg6[%dma_start3A_129, %dma_start3A_135] : memref<40x128xi32, #tpu.memory_space<vmem>> -> memref<1x128xi32, #tpu.memory_space<vmem>>
      %dma_start3A_137 = tpu.memref_squeeze %dma_start3A_136 : memref<1x128xi32, #tpu.memory_space<vmem>> -> memref<128xi32, #tpu.memory_space<vmem>>
      %dma_start3A_138 = arith.constant 0 : i32
      %dma_start3A_139 = arith.constant 0 : i32
      %dma_start3A_140 = tpu.memref_slice %arg2[%dma_start3A_138, %dma_start3A_139] : memref<10000x128xf32, #tpu.memory_space<hbm>> -> memref<10000x128xf32, #tpu.memory_space<hbm>>
      tpu.enqueue_indirect_dma source(%dma_start3A_140 : memref<10000x128xf32, #tpu.memory_space<hbm>>) target(%dma_start3A_134 : memref<128x128xf32, #tpu.memory_space<vmem>>) offsets(%dma_start3A_137 : memref<128xi32, #tpu.memory_space<vmem>>) semaphore(%arg10 : memref<!tpu.dma_semaphore, #tpu.memory_space<semaphore_mem>>)
      %dma_wait3A_141 = arith.constant 0 : i32
      %dma_wait3A_142 = arith.constant 0 : i32
      %dma_wait3A_143 = arith.constant 0 : i32
      %dma_wait3A_144 = arith.constant 0 : i32
      %dma_wait3A_145 = tpu.memref_slice %arg8[%dma_wait3A_142, %dma_wait3A_143, %dma_wait3A_144] : memref<2x128x128xf32, #tpu.memory_space<vmem>> -> memref<1x128x128xf32, #tpu.memory_space<vmem>>
      %dma_wait3A_146 = tpu.memref_squeeze %dma_wait3A_145 : memref<1x128x128xf32, #tpu.memory_space<vmem>> -> memref<128x128xf32, #tpu.memory_space<vmem>>
      %dma_wait3A_147 = arith.constant 0 : i32
      %dma_wait3A_148 = tpu.memref_slice %arg6[%dma_wait3A_141, %dma_wait3A_147] : memref<40x128xi32, #tpu.memory_space<vmem>> -> memref<1x128xi32, #tpu.memory_space<vmem>>
      %dma_wait3A_149 = tpu.memref_squeeze %dma_wait3A_148 : memref<1x128xi32, #tpu.memory_space<vmem>> -> memref<128xi32, #tpu.memory_space<vmem>>
      %dma_wait3A_150 = arith.constant 0 : i32
      %dma_wait3A_151 = arith.constant 0 : i32
      %dma_wait3A_152 = tpu.memref_slice %arg2[%dma_wait3A_150, %dma_wait3A_151] : memref<10000x128xf32, #tpu.memory_space<hbm>> -> memref<10000x128xf32, #tpu.memory_space<hbm>>
      tpu.wait_indirect_dma semaphore(%arg10 : memref<!tpu.dma_semaphore, #tpu.memory_space<semaphore_mem>>) src(%dma_wait3A_152 : memref<10000x128xf32, #tpu.memory_space<hbm>>) dst(%dma_wait3A_146 : memref<128x128xf32, #tpu.memory_space<vmem>>)
      %dma_start3A_153 = arith.constant 0 : i32
      %dma_start3A_154 = arith.constant 0 : i32
      %dma_start3A_155 = arith.constant 0 : i32
      %dma_start3A_156 = arith.constant 0 : i32
      %dma_start3A_157 = tpu.memref_slice %arg8[%dma_start3A_153, %dma_start3A_155, %dma_start3A_156] : memref<2x128x128xf32, #tpu.memory_space<vmem>> -> memref<1x128x128xf32, #tpu.memory_space<vmem>>
      %dma_start3A_158 = tpu.memref_squeeze %dma_start3A_157 : memref<1x128x128xf32, #tpu.memory_space<vmem>> -> memref<128x128xf32, #tpu.memory_space<vmem>>
      %dma_start3A_159 = arith.constant 0 : i32
      %dma_start3A_160 = tpu.memref_slice %arg7[%dma_start3A_154, %dma_start3A_159] : memref<40x128xi32, #tpu.memory_space<vmem>> -> memref<1x128xi32, #tpu.memory_space<vmem>>
      %dma_start3A_161 = tpu.memref_squeeze %dma_start3A_160 : memref<1x128xi32, #tpu.memory_space<vmem>> -> memref<128xi32, #tpu.memory_space<vmem>>
      %dma_start3A_162 = arith.constant 0 : i32
      %dma_start3A_163 = arith.constant 0 : i32
      %dma_start3A_164 = tpu.memref_slice %arg9[%dma_start3A_162, %dma_start3A_163] : memref<10240x128xf32, #tpu.memory_space<vmem_shared>> -> memref<10240x128xf32, #tpu.memory_space<vmem_shared>>
      tpu.enqueue_indirect_dma source(%dma_start3A_158 : memref<128x128xf32, #tpu.memory_space<vmem>>) target(%dma_start3A_164 : memref<10240x128xf32, #tpu.memory_space<vmem_shared>>) offsets(%dma_start3A_161 : memref<128xi32, #tpu.memory_space<vmem>>) semaphore(%arg11 : memref<!tpu.dma_semaphore, #tpu.memory_space<semaphore_mem>>) {add = true}
      %scan3A_165 = arith.constant 0 : i32
      %scan3A_166 = arith.constant 0 : i32
      %scan3A_167 = arith.constant 19 : i32
      %scan3A_168 = arith.addi %scan3A_166, %scan3A_167 : i32
      %scan3A_169 = arith.constant 1 : i32
      %scan3A_170 = scf.for %scan3A_220 = %scan3A_166 to %scan3A_168 step %scan3A_169 iter_args(%scan3A_221 = %scan3A_165) -> (i32)  : i32 {
        %mul3A_222 = arith.constant 2 : i32
        %mul3A_223 = arith.muli %mul3A_222, %scan3A_220 : i32
        %add3A_224 = arith.constant 1 : i32
        %add3A_225 = arith.addi %mul3A_223, %add3A_224 : i32
        %add3A_226 = arith.constant 0 : i32
        %add3A_227 = arith.addi %add3A_225, %add3A_226 : i32
        %sub3A = arith.constant 1 : i32
        %sub3A_228 = arith.subi %add3A_227, %sub3A : i32
        %dma_wait3A_229 = arith.constant 0 : i32
        %dma_wait3A_230 = arith.constant 0 : i32
        %dma_wait3A_231 = arith.constant 0 : i32
        %dma_wait3A_232 = tpu.memref_slice %arg8[%dma_wait3A_229, %dma_wait3A_230, %dma_wait3A_231] : memref<2x128x128xf32, #tpu.memory_space<vmem>> -> memref<1x128x128xf32, #tpu.memory_space<vmem>>
        %dma_wait3A_233 = tpu.memref_squeeze %dma_wait3A_232 : memref<1x128x128xf32, #tpu.memory_space<vmem>> -> memref<128x128xf32, #tpu.memory_space<vmem>>
        %dma_wait3A_234 = arith.constant 0 : i32
        %dma_wait3A_235 = tpu.memref_slice %arg7[%sub3A_228, %dma_wait3A_234] : memref<40x128xi32, #tpu.memory_space<vmem>> -> memref<1x128xi32, #tpu.memory_space<vmem>>
        %dma_wait3A_236 = tpu.memref_squeeze %dma_wait3A_235 : memref<1x128xi32, #tpu.memory_space<vmem>> -> memref<128xi32, #tpu.memory_space<vmem>>
        %dma_wait3A_237 = arith.constant 0 : i32
        %dma_wait3A_238 = arith.constant 0 : i32
        %dma_wait3A_239 = tpu.memref_slice %arg9[%dma_wait3A_237, %dma_wait3A_238] : memref<10240x128xf32, #tpu.memory_space<vmem_shared>> -> memref<10240x128xf32, #tpu.memory_space<vmem_shared>>
        tpu.wait_indirect_dma semaphore(%arg11 : memref<!tpu.dma_semaphore, #tpu.memory_space<semaphore_mem>>) src(%dma_wait3A_233 : memref<128x128xf32, #tpu.memory_space<vmem>>) dst(%dma_wait3A_239 : memref<10240x128xf32, #tpu.memory_space<vmem_shared>>)
        %add3A_240 = arith.constant 1 : i32
        %add3A_241 = arith.addi %add3A_227, %add3A_240 : i32
        %dma_start3A_242 = arith.constant 0 : i32
        %dma_start3A_243 = arith.constant 0 : i32
        %dma_start3A_244 = arith.constant 0 : i32
        %dma_start3A_245 = tpu.memref_slice %arg8[%dma_start3A_242, %dma_start3A_243, %dma_start3A_244] : memref<2x128x128xf32, #tpu.memory_space<vmem>> -> memref<1x128x128xf32, #tpu.memory_space<vmem>>
        %dma_start3A_246 = tpu.memref_squeeze %dma_start3A_245 : memref<1x128x128xf32, #tpu.memory_space<vmem>> -> memref<128x128xf32, #tpu.memory_space<vmem>>
        %dma_start3A_247 = arith.constant 0 : i32
        %dma_start3A_248 = tpu.memref_slice %arg6[%add3A_241, %dma_start3A_247] : memref<40x128xi32, #tpu.memory_space<vmem>> -> memref<1x128xi32, #tpu.memory_space<vmem>>
        %dma_start3A_249 = tpu.memref_squeeze %dma_start3A_248 : memref<1x128xi32, #tpu.memory_space<vmem>> -> memref<128xi32, #tpu.memory_space<vmem>>
        %dma_start3A_250 = arith.constant 0 : i32
        %dma_start3A_251 = arith.constant 0 : i32
        %dma_start3A_252 = tpu.memref_slice %arg2[%dma_start3A_250, %dma_start3A_251] : memref<10000x128xf32, #tpu.memory_space<hbm>> -> memref<10000x128xf32, #tpu.memory_space<hbm>>
        tpu.enqueue_indirect_dma source(%dma_start3A_252 : memref<10000x128xf32, #tpu.memory_space<hbm>>) target(%dma_start3A_246 : memref<128x128xf32, #tpu.memory_space<vmem>>) offsets(%dma_start3A_249 : memref<128xi32, #tpu.memory_space<vmem>>) semaphore(%arg10 : memref<!tpu.dma_semaphore, #tpu.memory_space<semaphore_mem>>)
        %dma_wait3A_253 = arith.constant 1 : i32
        %dma_wait3A_254 = arith.constant 0 : i32
        %dma_wait3A_255 = arith.constant 0 : i32
        %dma_wait3A_256 = tpu.memref_slice %arg8[%dma_wait3A_253, %dma_wait3A_254, %dma_wait3A_255] : memref<2x128x128xf32, #tpu.memory_space<vmem>> -> memref<1x128x128xf32, #tpu.memory_space<vmem>>
        %dma_wait3A_257 = tpu.memref_squeeze %dma_wait3A_256 : memref<1x128x128xf32, #tpu.memory_space<vmem>> -> memref<128x128xf32, #tpu.memory_space<vmem>>
        %dma_wait3A_258 = arith.constant 0 : i32
        %dma_wait3A_259 = tpu.memref_slice %arg6[%add3A_227, %dma_wait3A_258] : memref<40x128xi32, #tpu.memory_space<vmem>> -> memref<1x128xi32, #tpu.memory_space<vmem>>
        %dma_wait3A_260 = tpu.memref_squeeze %dma_wait3A_259 : memref<1x128xi32, #tpu.memory_space<vmem>> -> memref<128xi32, #tpu.memory_space<vmem>>
        %dma_wait3A_261 = arith.constant 0 : i32
        %dma_wait3A_262 = arith.constant 0 : i32
        %dma_wait3A_263 = tpu.memref_slice %arg2[%dma_wait3A_261, %dma_wait3A_262] : memref<10000x128xf32, #tpu.memory_space<hbm>> -> memref<10000x128xf32, #tpu.memory_space<hbm>>
        tpu.wait_indirect_dma semaphore(%arg10 : memref<!tpu.dma_semaphore, #tpu.memory_space<semaphore_mem>>) src(%dma_wait3A_263 : memref<10000x128xf32, #tpu.memory_space<hbm>>) dst(%dma_wait3A_257 : memref<128x128xf32, #tpu.memory_space<vmem>>)
        %dma_start3A_264 = arith.constant 1 : i32
        %dma_start3A_265 = arith.constant 0 : i32
        %dma_start3A_266 = arith.constant 0 : i32
        %dma_start3A_267 = tpu.memref_slice %arg8[%dma_start3A_264, %dma_start3A_265, %dma_start3A_266] : memref<2x128x128xf32, #tpu.memory_space<vmem>> -> memref<1x128x128xf32, #tpu.memory_space<vmem>>
        %dma_start3A_268 = tpu.memref_squeeze %dma_start3A_267 : memref<1x128x128xf32, #tpu.memory_space<vmem>> -> memref<128x128xf32, #tpu.memory_space<vmem>>
        %dma_start3A_269 = arith.constant 0 : i32
        %dma_start3A_270 = tpu.memref_slice %arg7[%add3A_227, %dma_start3A_269] : memref<40x128xi32, #tpu.memory_space<vmem>> -> memref<1x128xi32, #tpu.memory_space<vmem>>
        %dma_start3A_271 = tpu.memref_squeeze %dma_start3A_270 : memref<1x128xi32, #tpu.memory_space<vmem>> -> memref<128xi32, #tpu.memory_space<vmem>>
        %dma_start3A_272 = arith.constant 0 : i32
        %dma_start3A_273 = arith.constant 0 : i32
        %dma_start3A_274 = tpu.memref_slice %arg9[%dma_start3A_272, %dma_start3A_273] : memref<10240x128xf32, #tpu.memory_space<vmem_shared>> -> memref<10240x128xf32, #tpu.memory_space<vmem_shared>>
        tpu.enqueue_indirect_dma source(%dma_start3A_268 : memref<128x128xf32, #tpu.memory_space<vmem>>) target(%dma_start3A_274 : memref<10240x128xf32, #tpu.memory_space<vmem_shared>>) offsets(%dma_start3A_271 : memref<128xi32, #tpu.memory_space<vmem>>) semaphore(%arg11 : memref<!tpu.dma_semaphore, #tpu.memory_space<semaphore_mem>>) {add = true}
        %mul3A_275 = arith.constant 2 : i32
        %mul3A_276 = arith.muli %mul3A_275, %scan3A_220 : i32
        %add3A_277 = arith.constant 1 : i32
        %add3A_278 = arith.addi %mul3A_276, %add3A_277 : i32
        %add3A_279 = arith.constant 1 : i32
        %add3A_280 = arith.addi %add3A_278, %add3A_279 : i32
        %sub3A_281 = arith.constant 1 : i32
        %sub3A_282 = arith.subi %add3A_280, %sub3A_281 : i32
        %dma_wait3A_283 = arith.constant 1 : i32
        %dma_wait3A_284 = arith.constant 0 : i32
        %dma_wait3A_285 = arith.constant 0 : i32
        %dma_wait3A_286 = tpu.memref_slice %arg8[%dma_wait3A_283, %dma_wait3A_284, %dma_wait3A_285] : memref<2x128x128xf32, #tpu.memory_space<vmem>> -> memref<1x128x128xf32, #tpu.memory_space<vmem>>
        %dma_wait3A_287 = tpu.memref_squeeze %dma_wait3A_286 : memref<1x128x128xf32, #tpu.memory_space<vmem>> -> memref<128x128xf32, #tpu.memory_space<vmem>>
        %dma_wait3A_288 = arith.constant 0 : i32
        %dma_wait3A_289 = tpu.memref_slice %arg7[%sub3A_282, %dma_wait3A_288] : memref<40x128xi32, #tpu.memory_space<vmem>> -> memref<1x128xi32, #tpu.memory_space<vmem>>
        %dma_wait3A_290 = tpu.memref_squeeze %dma_wait3A_289 : memref<1x128xi32, #tpu.memory_space<vmem>> -> memref<128xi32, #tpu.memory_space<vmem>>
        %dma_wait3A_291 = arith.constant 0 : i32
        %dma_wait3A_292 = arith.constant 0 : i32
        %dma_wait3A_293 = tpu.memref_slice %arg9[%dma_wait3A_291, %dma_wait3A_292] : memref<10240x128xf32, #tpu.memory_space<vmem_shared>> -> memref<10240x128xf32, #tpu.memory_space<vmem_shared>>
        tpu.wait_indirect_dma semaphore(%arg11 : memref<!tpu.dma_semaphore, #tpu.memory_space<semaphore_mem>>) src(%dma_wait3A_287 : memref<128x128xf32, #tpu.memory_space<vmem>>) dst(%dma_wait3A_293 : memref<10240x128xf32, #tpu.memory_space<vmem_shared>>)
        %add3A_294 = arith.constant 1 : i32
        %add3A_295 = arith.addi %add3A_280, %add3A_294 : i32
        %dma_start3A_296 = arith.constant 1 : i32
        %dma_start3A_297 = arith.constant 0 : i32
        %dma_start3A_298 = arith.constant 0 : i32
        %dma_start3A_299 = tpu.memref_slice %arg8[%dma_start3A_296, %dma_start3A_297, %dma_start3A_298] : memref<2x128x128xf32, #tpu.memory_space<vmem>> -> memref<1x128x128xf32, #tpu.memory_space<vmem>>
        %dma_start3A_300 = tpu.memref_squeeze %dma_start3A_299 : memref<1x128x128xf32, #tpu.memory_space<vmem>> -> memref<128x128xf32, #tpu.memory_space<vmem>>
        %dma_start3A_301 = arith.constant 0 : i32
        %dma_start3A_302 = tpu.memref_slice %arg6[%add3A_295, %dma_start3A_301] : memref<40x128xi32, #tpu.memory_space<vmem>> -> memref<1x128xi32, #tpu.memory_space<vmem>>
        %dma_start3A_303 = tpu.memref_squeeze %dma_start3A_302 : memref<1x128xi32, #tpu.memory_space<vmem>> -> memref<128xi32, #tpu.memory_space<vmem>>
        %dma_start3A_304 = arith.constant 0 : i32
        %dma_start3A_305 = arith.constant 0 : i32
        %dma_start3A_306 = tpu.memref_slice %arg2[%dma_start3A_304, %dma_start3A_305] : memref<10000x128xf32, #tpu.memory_space<hbm>> -> memref<10000x128xf32, #tpu.memory_space<hbm>>
        tpu.enqueue_indirect_dma source(%dma_start3A_306 : memref<10000x128xf32, #tpu.memory_space<hbm>>) target(%dma_start3A_300 : memref<128x128xf32, #tpu.memory_space<vmem>>) offsets(%dma_start3A_303 : memref<128xi32, #tpu.memory_space<vmem>>) semaphore(%arg10 : memref<!tpu.dma_semaphore, #tpu.memory_space<semaphore_mem>>)
        %dma_wait3A_307 = arith.constant 0 : i32
        %dma_wait3A_308 = arith.constant 0 : i32
        %dma_wait3A_309 = arith.constant 0 : i32
        %dma_wait3A_310 = tpu.memref_slice %arg8[%dma_wait3A_307, %dma_wait3A_308, %dma_wait3A_309] : memref<2x128x128xf32, #tpu.memory_space<vmem>> -> memref<1x128x128xf32, #tpu.memory_space<vmem>>
        %dma_wait3A_311 = tpu.memref_squeeze %dma_wait3A_310 : memref<1x128x128xf32, #tpu.memory_space<vmem>> -> memref<128x128xf32, #tpu.memory_space<vmem>>
        %dma_wait3A_312 = arith.constant 0 : i32
        %dma_wait3A_313 = tpu.memref_slice %arg6[%add3A_280, %dma_wait3A_312] : memref<40x128xi32, #tpu.memory_space<vmem>> -> memref<1x128xi32, #tpu.memory_space<vmem>>
        %dma_wait3A_314 = tpu.memref_squeeze %dma_wait3A_313 : memref<1x128xi32, #tpu.memory_space<vmem>> -> memref<128xi32, #tpu.memory_space<vmem>>
        %dma_wait3A_315 = arith.constant 0 : i32
        %dma_wait3A_316 = arith.constant 0 : i32
        %dma_wait3A_317 = tpu.memref_slice %arg2[%dma_wait3A_315, %dma_wait3A_316] : memref<10000x128xf32, #tpu.memory_space<hbm>> -> memref<10000x128xf32, #tpu.memory_space<hbm>>
        tpu.wait_indirect_dma semaphore(%arg10 : memref<!tpu.dma_semaphore, #tpu.memory_space<semaphore_mem>>) src(%dma_wait3A_317 : memref<10000x128xf32, #tpu.memory_space<hbm>>) dst(%dma_wait3A_311 : memref<128x128xf32, #tpu.memory_space<vmem>>)
        %dma_start3A_318 = arith.constant 0 : i32
        %dma_start3A_319 = arith.constant 0 : i32
        %dma_start3A_320 = arith.constant 0 : i32
        %dma_start3A_321 = tpu.memref_slice %arg8[%dma_start3A_318, %dma_start3A_319, %dma_start3A_320] : memref<2x128x128xf32, #tpu.memory_space<vmem>> -> memref<1x128x128xf32, #tpu.memory_space<vmem>>
        %dma_start3A_322 = tpu.memref_squeeze %dma_start3A_321 : memref<1x128x128xf32, #tpu.memory_space<vmem>> -> memref<128x128xf32, #tpu.memory_space<vmem>>
        %dma_start3A_323 = arith.constant 0 : i32
        %dma_start3A_324 = tpu.memref_slice %arg7[%add3A_280, %dma_start3A_323] : memref<40x128xi32, #tpu.memory_space<vmem>> -> memref<1x128xi32, #tpu.memory_space<vmem>>
        %dma_start3A_325 = tpu.memref_squeeze %dma_start3A_324 : memref<1x128xi32, #tpu.memory_space<vmem>> -> memref<128xi32, #tpu.memory_space<vmem>>
        %dma_start3A_326 = arith.constant 0 : i32
        %dma_start3A_327 = arith.constant 0 : i32
        %dma_start3A_328 = tpu.memref_slice %arg9[%dma_start3A_326, %dma_start3A_327] : memref<10240x128xf32, #tpu.memory_space<vmem_shared>> -> memref<10240x128xf32, #tpu.memory_space<vmem_shared>>
        tpu.enqueue_indirect_dma source(%dma_start3A_322 : memref<128x128xf32, #tpu.memory_space<vmem>>) target(%dma_start3A_328 : memref<10240x128xf32, #tpu.memory_space<vmem_shared>>) offsets(%dma_start3A_325 : memref<128xi32, #tpu.memory_space<vmem>>) semaphore(%arg11 : memref<!tpu.dma_semaphore, #tpu.memory_space<semaphore_mem>>) {add = true}
        %scan3A_329 = arith.constant 0 : i32
        scf.yield %scan3A_329 : i32
      }
      %scan3A_171 = arith.constant 19 : i32
      %dma_wait3A_172 = arith.constant 39 : i32
      %dma_wait3A_173 = arith.constant 1 : i32
      %dma_wait3A_174 = arith.constant 0 : i32
      %dma_wait3A_175 = arith.constant 0 : i32
      %dma_wait3A_176 = tpu.memref_slice %arg8[%dma_wait3A_173, %dma_wait3A_174, %dma_wait3A_175] : memref<2x128x128xf32, #tpu.memory_space<vmem>> -> memref<1x128x128xf32, #tpu.memory_space<vmem>>
      %dma_wait3A_177 = tpu.memref_squeeze %dma_wait3A_176 : memref<1x128x128xf32, #tpu.memory_space<vmem>> -> memref<128x128xf32, #tpu.memory_space<vmem>>
      %dma_wait3A_178 = arith.constant 0 : i32
      %dma_wait3A_179 = tpu.memref_slice %arg6[%dma_wait3A_172, %dma_wait3A_178] : memref<40x128xi32, #tpu.memory_space<vmem>> -> memref<1x128xi32, #tpu.memory_space<vmem>>
      %dma_wait3A_180 = tpu.memref_squeeze %dma_wait3A_179 : memref<1x128xi32, #tpu.memory_space<vmem>> -> memref<128xi32, #tpu.memory_space<vmem>>
      %dma_wait3A_181 = arith.constant 0 : i32
      %dma_wait3A_182 = arith.constant 0 : i32
      %dma_wait3A_183 = tpu.memref_slice %arg2[%dma_wait3A_181, %dma_wait3A_182] : memref<10000x128xf32, #tpu.memory_space<hbm>> -> memref<10000x128xf32, #tpu.memory_space<hbm>>
      tpu.wait_indirect_dma semaphore(%arg10 : memref<!tpu.dma_semaphore, #tpu.memory_space<semaphore_mem>>) src(%dma_wait3A_183 : memref<10000x128xf32, #tpu.memory_space<hbm>>) dst(%dma_wait3A_177 : memref<128x128xf32, #tpu.memory_space<vmem>>)
      %dma_start3A_184 = arith.constant 1 : i32
      %dma_start3A_185 = arith.constant 39 : i32
      %dma_start3A_186 = arith.constant 0 : i32
      %dma_start3A_187 = arith.constant 0 : i32
      %dma_start3A_188 = tpu.memref_slice %arg8[%dma_start3A_184, %dma_start3A_186, %dma_start3A_187] : memref<2x128x128xf32, #tpu.memory_space<vmem>> -> memref<1x128x128xf32, #tpu.memory_space<vmem>>
      %dma_start3A_189 = tpu.memref_squeeze %dma_start3A_188 : memref<1x128x128xf32, #tpu.memory_space<vmem>> -> memref<128x128xf32, #tpu.memory_space<vmem>>
      %dma_start3A_190 = arith.constant 0 : i32
      %dma_start3A_191 = tpu.memref_slice %arg7[%dma_start3A_185, %dma_start3A_190] : memref<40x128xi32, #tpu.memory_space<vmem>> -> memref<1x128xi32, #tpu.memory_space<vmem>>
      %dma_start3A_192 = tpu.memref_squeeze %dma_start3A_191 : memref<1x128xi32, #tpu.memory_space<vmem>> -> memref<128xi32, #tpu.memory_space<vmem>>
      %dma_start3A_193 = arith.constant 0 : i32
      %dma_start3A_194 = arith.constant 0 : i32
      %dma_start3A_195 = tpu.memref_slice %arg9[%dma_start3A_193, %dma_start3A_194] : memref<10240x128xf32, #tpu.memory_space<vmem_shared>> -> memref<10240x128xf32, #tpu.memory_space<vmem_shared>>
      tpu.enqueue_indirect_dma source(%dma_start3A_189 : memref<128x128xf32, #tpu.memory_space<vmem>>) target(%dma_start3A_195 : memref<10240x128xf32, #tpu.memory_space<vmem_shared>>) offsets(%dma_start3A_192 : memref<128xi32, #tpu.memory_space<vmem>>) semaphore(%arg11 : memref<!tpu.dma_semaphore, #tpu.memory_space<semaphore_mem>>) {add = true}
      %dma_wait3A_196 = arith.constant 0 : i32
      %dma_wait3A_197 = arith.constant 38 : i32
      %dma_wait3A_198 = arith.constant 0 : i32
      %dma_wait3A_199 = arith.constant 0 : i32
      %dma_wait3A_200 = tpu.memref_slice %arg8[%dma_wait3A_196, %dma_wait3A_198, %dma_wait3A_199] : memref<2x128x128xf32, #tpu.memory_space<vmem>> -> memref<1x128x128xf32, #tpu.memory_space<vmem>>
      %dma_wait3A_201 = tpu.memref_squeeze %dma_wait3A_200 : memref<1x128x128xf32, #tpu.memory_space<vmem>> -> memref<128x128xf32, #tpu.memory_space<vmem>>
      %dma_wait3A_202 = arith.constant 0 : i32
      %dma_wait3A_203 = tpu.memref_slice %arg7[%dma_wait3A_197, %dma_wait3A_202] : memref<40x128xi32, #tpu.memory_space<vmem>> -> memref<1x128xi32, #tpu.memory_space<vmem>>
      %dma_wait3A_204 = tpu.memref_squeeze %dma_wait3A_203 : memref<1x128xi32, #tpu.memory_space<vmem>> -> memref<128xi32, #tpu.memory_space<vmem>>
      %dma_wait3A_205 = arith.constant 0 : i32
      %dma_wait3A_206 = arith.constant 0 : i32
      %dma_wait3A_207 = tpu.memref_slice %arg9[%dma_wait3A_205, %dma_wait3A_206] : memref<10240x128xf32, #tpu.memory_space<vmem_shared>> -> memref<10240x128xf32, #tpu.memory_space<vmem_shared>>
      tpu.wait_indirect_dma semaphore(%arg11 : memref<!tpu.dma_semaphore, #tpu.memory_space<semaphore_mem>>) src(%dma_wait3A_201 : memref<128x128xf32, #tpu.memory_space<vmem>>) dst(%dma_wait3A_207 : memref<10240x128xf32, #tpu.memory_space<vmem_shared>>)
      %dma_wait3A_208 = arith.constant 1 : i32
      %dma_wait3A_209 = arith.constant 39 : i32
      %dma_wait3A_210 = arith.constant 0 : i32
      %dma_wait3A_211 = arith.constant 0 : i32
      %dma_wait3A_212 = tpu.memref_slice %arg8[%dma_wait3A_208, %dma_wait3A_210, %dma_wait3A_211] : memref<2x128x128xf32, #tpu.memory_space<vmem>> -> memref<1x128x128xf32, #tpu.memory_space<vmem>>
      %dma_wait3A_213 = tpu.memref_squeeze %dma_wait3A_212 : memref<1x128x128xf32, #tpu.memory_space<vmem>> -> memref<128x128xf32, #tpu.memory_space<vmem>>
      %dma_wait3A_214 = arith.constant 0 : i32
      %dma_wait3A_215 = tpu.memref_slice %arg7[%dma_wait3A_209, %dma_wait3A_214] : memref<40x128xi32, #tpu.memory_space<vmem>> -> memref<1x128xi32, #tpu.memory_space<vmem>>
      %dma_wait3A_216 = tpu.memref_squeeze %dma_wait3A_215 : memref<1x128xi32, #tpu.memory_space<vmem>> -> memref<128xi32, #tpu.memory_space<vmem>>
      %dma_wait3A_217 = arith.constant 0 : i32
      %dma_wait3A_218 = arith.constant 0 : i32
      %dma_wait3A_219 = tpu.memref_slice %arg9[%dma_wait3A_217, %dma_wait3A_218] : memref<10240x128xf32, #tpu.memory_space<vmem_shared>> -> memref<10240x128xf32, #tpu.memory_space<vmem_shared>>
      tpu.wait_indirect_dma semaphore(%arg11 : memref<!tpu.dma_semaphore, #tpu.memory_space<semaphore_mem>>) src(%dma_wait3A_213 : memref<128x128xf32, #tpu.memory_space<vmem>>) dst(%dma_wait3A_219 : memref<10240x128xf32, #tpu.memory_space<vmem_shared>>)
    } else {
    }
    %eq3A = arith.constant 31 : i32
    %eq3A_5 = arith.cmpi eq, %add3A, %eq3A : i32
    %convert_element_type3A_6 = arith.extui %eq3A_5 : i1 to i32
    %cond3A_7 = arith.constant 0 : i32
    %cond3A_8 = arith.cmpi ne, %convert_element_type3A_6, %cond3A_7 : i32
    scf.if %cond3A_8 {
      %run_scoped3A = arith.constant 0 : i32
      "tpu.region"() ({
        %run_scoped3A_111 = tpu.sem_alloc : memref<!tpu.dma_semaphore, #tpu.memory_space<semaphore_mem>>
        %dma_start3A_112 = arith.constant 0 : i32
        %dma_start3A_113 = arith.constant 0 : i32
        %dma_start3A_114 = tpu.memref_slice %arg6[%dma_start3A_112, %dma_start3A_113] : memref<40x128xi32, #tpu.memory_space<vmem>> -> memref<20x128xi32, #tpu.memory_space<vmem>>
        %dma_start3A_115 = arith.constant 2480 : i32
        %dma_start3A_116 = arith.constant 0 : i32
        %dma_start3A_117 = tpu.memref_slice %arg3[%run_scoped3A, %dma_start3A_115, %dma_start3A_116] : memref<2x2500x128xi32, #tpu.memory_space<hbm>> -> memref<1x20x128xi32, #tpu.memory_space<hbm>>
        %dma_start3A_118 = tpu.memref_squeeze %dma_start3A_117 : memref<1x20x128xi32, #tpu.memory_space<hbm>> -> memref<20x128xi32, #tpu.memory_space<hbm>>
        %dma_start3A_119 = arith.constant 0 : i32
        %dma_start3A_120 = arith.constant 0 : i32
        %dma_start3A_121 = tpu.memref_slice %arg6[%dma_start3A_119, %dma_start3A_120] : memref<40x128xi32, #tpu.memory_space<vmem>> -> memref<20x128xi32, #tpu.memory_space<vmem>>
        %dma_start3A_122 = arith.constant 2480 : i32
        %dma_start3A_123 = arith.constant 0 : i32
        %dma_start3A_124 = tpu.memref_slice %arg3[%run_scoped3A, %dma_start3A_122, %dma_start3A_123] : memref<2x2500x128xi32, #tpu.memory_space<hbm>> -> memref<1x20x128xi32, #tpu.memory_space<hbm>>
        %dma_start3A_125 = tpu.memref_squeeze %dma_start3A_124 : memref<1x20x128xi32, #tpu.memory_space<hbm>> -> memref<20x128xi32, #tpu.memory_space<hbm>>
        tpu.enqueue_dma source(%dma_start3A_125 : memref<20x128xi32, #tpu.memory_space<hbm>>) target(%dma_start3A_121 : memref<20x128xi32, #tpu.memory_space<vmem>>) target_semaphore(%run_scoped3A_111 : memref<!tpu.dma_semaphore, #tpu.memory_space<semaphore_mem>>)
        %dma_wait3A_126 = arith.constant 0 : i32
        %dma_wait3A_127 = arith.constant 0 : i32
        %dma_wait3A_128 = tpu.memref_slice %arg6[%dma_wait3A_126, %dma_wait3A_127] : memref<40x128xi32, #tpu.memory_space<vmem>> -> memref<20x128xi32, #tpu.memory_space<vmem>>
        %dma_wait3A_129 = arith.constant 2480 : i32
        %dma_wait3A_130 = arith.constant 0 : i32
        %dma_wait3A_131 = tpu.memref_slice %arg3[%run_scoped3A, %dma_wait3A_129, %dma_wait3A_130] : memref<2x2500x128xi32, #tpu.memory_space<hbm>> -> memref<1x20x128xi32, #tpu.memory_space<hbm>>
        %dma_wait3A_132 = tpu.memref_squeeze %dma_wait3A_131 : memref<1x20x128xi32, #tpu.memory_space<hbm>> -> memref<20x128xi32, #tpu.memory_space<hbm>>
        %dma_wait3A_133 = arith.constant 0 : i32
        %dma_wait3A_134 = arith.constant 0 : i32
        %dma_wait3A_135 = tpu.memref_slice %arg6[%dma_wait3A_133, %dma_wait3A_134] : memref<40x128xi32, #tpu.memory_space<vmem>> -> memref<20x128xi32, #tpu.memory_space<vmem>>
        %dma_wait3A_136 = arith.constant 2480 : i32
        %dma_wait3A_137 = arith.constant 0 : i32
        %dma_wait3A_138 = tpu.memref_slice %arg3[%run_scoped3A, %dma_wait3A_136, %dma_wait3A_137] : memref<2x2500x128xi32, #tpu.memory_space<hbm>> -> memref<1x20x128xi32, #tpu.memory_space<hbm>>
        %dma_wait3A_139 = tpu.memref_squeeze %dma_wait3A_138 : memref<1x20x128xi32, #tpu.memory_space<hbm>> -> memref<20x128xi32, #tpu.memory_space<hbm>>
        tpu.wait_dma2 semaphore(%run_scoped3A_111 : memref<!tpu.dma_semaphore, #tpu.memory_space<semaphore_mem>>) src(%dma_wait3A_139 : memref<20x128xi32, #tpu.memory_space<hbm>>) dst(%dma_wait3A_135 : memref<20x128xi32, #tpu.memory_space<vmem>>)
        tpu.yield
      }) : () -> ()
      %run_scoped3A_10 = arith.constant 1 : i32
      "tpu.region"() ({
        %run_scoped3A_111 = tpu.sem_alloc : memref<!tpu.dma_semaphore, #tpu.memory_space<semaphore_mem>>
        %dma_start3A_112 = arith.constant 0 : i32
        %dma_start3A_113 = arith.constant 0 : i32
        %dma_start3A_114 = tpu.memref_slice %arg7[%dma_start3A_112, %dma_start3A_113] : memref<40x128xi32, #tpu.memory_space<vmem>> -> memref<20x128xi32, #tpu.memory_space<vmem>>
        %dma_start3A_115 = arith.constant 2480 : i32
        %dma_start3A_116 = arith.constant 0 : i32
        %dma_start3A_117 = tpu.memref_slice %arg3[%run_scoped3A_10, %dma_start3A_115, %dma_start3A_116] : memref<2x2500x128xi32, #tpu.memory_space<hbm>> -> memref<1x20x128xi32, #tpu.memory_space<hbm>>
        %dma_start3A_118 = tpu.memref_squeeze %dma_start3A_117 : memref<1x20x128xi32, #tpu.memory_space<hbm>> -> memref<20x128xi32, #tpu.memory_space<hbm>>
        %dma_start3A_119 = arith.constant 0 : i32
        %dma_start3A_120 = arith.constant 0 : i32
        %dma_start3A_121 = tpu.memref_slice %arg7[%dma_start3A_119, %dma_start3A_120] : memref<40x128xi32, #tpu.memory_space<vmem>> -> memref<20x128xi32, #tpu.memory_space<vmem>>
        %dma_start3A_122 = arith.constant 2480 : i32
        %dma_start3A_123 = arith.constant 0 : i32
        %dma_start3A_124 = tpu.memref_slice %arg3[%run_scoped3A_10, %dma_start3A_122, %dma_start3A_123] : memref<2x2500x128xi32, #tpu.memory_space<hbm>> -> memref<1x20x128xi32, #tpu.memory_space<hbm>>
        %dma_start3A_125 = tpu.memref_squeeze %dma_start3A_124 : memref<1x20x128xi32, #tpu.memory_space<hbm>> -> memref<20x128xi32, #tpu.memory_space<hbm>>
        tpu.enqueue_dma source(%dma_start3A_125 : memref<20x128xi32, #tpu.memory_space<hbm>>) target(%dma_start3A_121 : memref<20x128xi32, #tpu.memory_space<vmem>>) target_semaphore(%run_scoped3A_111 : memref<!tpu.dma_semaphore, #tpu.memory_space<semaphore_mem>>)
        %dma_wait3A_126 = arith.constant 0 : i32
        %dma_wait3A_127 = arith.constant 0 : i32
        %dma_wait3A_128 = tpu.memref_slice %arg7[%dma_wait3A_126, %dma_wait3A_127] : memref<40x128xi32, #tpu.memory_space<vmem>> -> memref<20x128xi32, #tpu.memory_space<vmem>>
        %dma_wait3A_129 = arith.constant 2480 : i32
        %dma_wait3A_130 = arith.constant 0 : i32
        %dma_wait3A_131 = tpu.memref_slice %arg3[%run_scoped3A_10, %dma_wait3A_129, %dma_wait3A_130] : memref<2x2500x128xi32, #tpu.memory_space<hbm>> -> memref<1x20x128xi32, #tpu.memory_space<hbm>>
        %dma_wait3A_132 = tpu.memref_squeeze %dma_wait3A_131 : memref<1x20x128xi32, #tpu.memory_space<hbm>> -> memref<20x128xi32, #tpu.memory_space<hbm>>
        %dma_wait3A_133 = arith.constant 0 : i32
        %dma_wait3A_134 = arith.constant 0 : i32
        %dma_wait3A_135 = tpu.memref_slice %arg7[%dma_wait3A_133, %dma_wait3A_134] : memref<40x128xi32, #tpu.memory_space<vmem>> -> memref<20x128xi32, #tpu.memory_space<vmem>>
        %dma_wait3A_136 = arith.constant 2480 : i32
        %dma_wait3A_137 = arith.constant 0 : i32
        %dma_wait3A_138 = tpu.memref_slice %arg3[%run_scoped3A_10, %dma_wait3A_136, %dma_wait3A_137] : memref<2x2500x128xi32, #tpu.memory_space<hbm>> -> memref<1x20x128xi32, #tpu.memory_space<hbm>>
        %dma_wait3A_139 = tpu.memref_squeeze %dma_wait3A_138 : memref<1x20x128xi32, #tpu.memory_space<hbm>> -> memref<20x128xi32, #tpu.memory_space<hbm>>
        tpu.wait_dma2 semaphore(%run_scoped3A_111 : memref<!tpu.dma_semaphore, #tpu.memory_space<semaphore_mem>>) src(%dma_wait3A_139 : memref<20x128xi32, #tpu.memory_space<hbm>>) dst(%dma_wait3A_135 : memref<20x128xi32, #tpu.memory_space<vmem>>)
        tpu.yield
      }) : () -> ()
      %dma_start3A = arith.constant 0 : i32
      %dma_start3A_11 = arith.constant 0 : i32
      %dma_start3A_12 = arith.constant 0 : i32
      %dma_start3A_13 = arith.constant 0 : i32
      %dma_start3A_14 = tpu.memref_slice %arg8[%dma_start3A_11, %dma_start3A_12, %dma_start3A_13] : memref<2x128x128xf32, #tpu.memory_space<vmem>> -> memref<1x128x128xf32, #tpu.memory_space<vmem>>
      %dma_start3A_15 = tpu.memref_squeeze %dma_start3A_14 : memref<1x128x128xf32, #tpu.memory_space<vmem>> -> memref<128x128xf32, #tpu.memory_space<vmem>>
      %dma_start3A_16 = arith.constant 0 : i32
      %dma_start3A_17 = tpu.memref_slice %arg6[%dma_start3A, %dma_start3A_16] : memref<40x128xi32, #tpu.memory_space<vmem>> -> memref<1x128xi32, #tpu.memory_space<vmem>>
      %dma_start3A_18 = tpu.memref_squeeze %dma_start3A_17 : memref<1x128xi32, #tpu.memory_space<vmem>> -> memref<128xi32, #tpu.memory_space<vmem>>
      %dma_start3A_19 = arith.constant 0 : i32
      %dma_start3A_20 = arith.constant 0 : i32
      %dma_start3A_21 = tpu.memref_slice %arg2[%dma_start3A_19, %dma_start3A_20] : memref<10000x128xf32, #tpu.memory_space<hbm>> -> memref<10000x128xf32, #tpu.memory_space<hbm>>
      tpu.enqueue_indirect_dma source(%dma_start3A_21 : memref<10000x128xf32, #tpu.memory_space<hbm>>) target(%dma_start3A_15 : memref<128x128xf32, #tpu.memory_space<vmem>>) offsets(%dma_start3A_18 : memref<128xi32, #tpu.memory_space<vmem>>) semaphore(%arg10 : memref<!tpu.dma_semaphore, #tpu.memory_space<semaphore_mem>>)
      %dma_start3A_22 = arith.constant 1 : i32
      %dma_start3A_23 = arith.constant 1 : i32
      %dma_start3A_24 = arith.constant 0 : i32
      %dma_start3A_25 = arith.constant 0 : i32
      %dma_start3A_26 = tpu.memref_slice %arg8[%dma_start3A_23, %dma_start3A_24, %dma_start3A_25] : memref<2x128x128xf32, #tpu.memory_space<vmem>> -> memref<1x128x128xf32, #tpu.memory_space<vmem>>
      %dma_start3A_27 = tpu.memref_squeeze %dma_start3A_26 : memref<1x128x128xf32, #tpu.memory_space<vmem>> -> memref<128x128xf32, #tpu.memory_space<vmem>>
      %dma_start3A_28 = arith.constant 0 : i32
      %dma_start3A_29 = tpu.memref_slice %arg6[%dma_start3A_22, %dma_start3A_28] : memref<40x128xi32, #tpu.memory_space<vmem>> -> memref<1x128xi32, #tpu.memory_space<vmem>>
      %dma_start3A_30 = tpu.memref_squeeze %dma_start3A_29 : memref<1x128xi32, #tpu.memory_space<vmem>> -> memref<128xi32, #tpu.memory_space<vmem>>
      %dma_start3A_31 = arith.constant 0 : i32
      %dma_start3A_32 = arith.constant 0 : i32
      %dma_start3A_33 = tpu.memref_slice %arg2[%dma_start3A_31, %dma_start3A_32] : memref<10000x128xf32, #tpu.memory_space<hbm>> -> memref<10000x128xf32, #tpu.memory_space<hbm>>
      tpu.enqueue_indirect_dma source(%dma_start3A_33 : memref<10000x128xf32, #tpu.memory_space<hbm>>) target(%dma_start3A_27 : memref<128x128xf32, #tpu.memory_space<vmem>>) offsets(%dma_start3A_30 : memref<128xi32, #tpu.memory_space<vmem>>) semaphore(%arg10 : memref<!tpu.dma_semaphore, #tpu.memory_space<semaphore_mem>>)
      %dma_wait3A = arith.constant 0 : i32
      %dma_wait3A_34 = arith.constant 0 : i32
      %dma_wait3A_35 = arith.constant 0 : i32
      %dma_wait3A_36 = arith.constant 0 : i32
      %dma_wait3A_37 = tpu.memref_slice %arg8[%dma_wait3A_34, %dma_wait3A_35, %dma_wait3A_36] : memref<2x128x128xf32, #tpu.memory_space<vmem>> -> memref<1x128x128xf32, #tpu.memory_space<vmem>>
      %dma_wait3A_38 = tpu.memref_squeeze %dma_wait3A_37 : memref<1x128x128xf32, #tpu.memory_space<vmem>> -> memref<128x128xf32, #tpu.memory_space<vmem>>
      %dma_wait3A_39 = arith.constant 0 : i32
      %dma_wait3A_40 = tpu.memref_slice %arg6[%dma_wait3A, %dma_wait3A_39] : memref<40x128xi32, #tpu.memory_space<vmem>> -> memref<1x128xi32, #tpu.memory_space<vmem>>
      %dma_wait3A_41 = tpu.memref_squeeze %dma_wait3A_40 : memref<1x128xi32, #tpu.memory_space<vmem>> -> memref<128xi32, #tpu.memory_space<vmem>>
      %dma_wait3A_42 = arith.constant 0 : i32
      %dma_wait3A_43 = arith.constant 0 : i32
      %dma_wait3A_44 = tpu.memref_slice %arg2[%dma_wait3A_42, %dma_wait3A_43] : memref<10000x128xf32, #tpu.memory_space<hbm>> -> memref<10000x128xf32, #tpu.memory_space<hbm>>
      tpu.wait_indirect_dma semaphore(%arg10 : memref<!tpu.dma_semaphore, #tpu.memory_space<semaphore_mem>>) src(%dma_wait3A_44 : memref<10000x128xf32, #tpu.memory_space<hbm>>) dst(%dma_wait3A_38 : memref<128x128xf32, #tpu.memory_space<vmem>>)
      %dma_start3A_45 = arith.constant 0 : i32
      %dma_start3A_46 = arith.constant 0 : i32
      %dma_start3A_47 = arith.constant 0 : i32
      %dma_start3A_48 = arith.constant 0 : i32
      %dma_start3A_49 = tpu.memref_slice %arg8[%dma_start3A_45, %dma_start3A_47, %dma_start3A_48] : memref<2x128x128xf32, #tpu.memory_space<vmem>> -> memref<1x128x128xf32, #tpu.memory_space<vmem>>
      %dma_start3A_50 = tpu.memref_squeeze %dma_start3A_49 : memref<1x128x128xf32, #tpu.memory_space<vmem>> -> memref<128x128xf32, #tpu.memory_space<vmem>>
      %dma_start3A_51 = arith.constant 0 : i32
      %dma_start3A_52 = tpu.memref_slice %arg7[%dma_start3A_46, %dma_start3A_51] : memref<40x128xi32, #tpu.memory_space<vmem>> -> memref<1x128xi32, #tpu.memory_space<vmem>>
      %dma_start3A_53 = tpu.memref_squeeze %dma_start3A_52 : memref<1x128xi32, #tpu.memory_space<vmem>> -> memref<128xi32, #tpu.memory_space<vmem>>
      %dma_start3A_54 = arith.constant 0 : i32
      %dma_start3A_55 = arith.constant 0 : i32
      %dma_start3A_56 = tpu.memref_slice %arg9[%dma_start3A_54, %dma_start3A_55] : memref<10240x128xf32, #tpu.memory_space<vmem_shared>> -> memref<10240x128xf32, #tpu.memory_space<vmem_shared>>
      tpu.enqueue_indirect_dma source(%dma_start3A_50 : memref<128x128xf32, #tpu.memory_space<vmem>>) target(%dma_start3A_56 : memref<10240x128xf32, #tpu.memory_space<vmem_shared>>) offsets(%dma_start3A_53 : memref<128xi32, #tpu.memory_space<vmem>>) semaphore(%arg11 : memref<!tpu.dma_semaphore, #tpu.memory_space<semaphore_mem>>) {add = true}
      %scan3A = arith.constant 0 : i32
      %scan3A_57 = arith.constant 0 : i32
      %scan3A_58 = arith.constant 9 : i32
      %scan3A_59 = arith.addi %scan3A_57, %scan3A_58 : i32
      %scan3A_60 = arith.constant 1 : i32
      %scan3A_61 = scf.for %scan3A_111 = %scan3A_57 to %scan3A_59 step %scan3A_60 iter_args(%scan3A_112 = %scan3A) -> (i32)  : i32 {
        %mul3A_113 = arith.constant 2 : i32
        %mul3A_114 = arith.muli %mul3A_113, %scan3A_111 : i32
        %add3A_115 = arith.constant 1 : i32
        %add3A_116 = arith.addi %mul3A_114, %add3A_115 : i32
        %add3A_117 = arith.constant 0 : i32
        %add3A_118 = arith.addi %add3A_116, %add3A_117 : i32
        %sub3A = arith.constant 1 : i32
        %sub3A_119 = arith.subi %add3A_118, %sub3A : i32
        %dma_wait3A_120 = arith.constant 0 : i32
        %dma_wait3A_121 = arith.constant 0 : i32
        %dma_wait3A_122 = arith.constant 0 : i32
        %dma_wait3A_123 = tpu.memref_slice %arg8[%dma_wait3A_120, %dma_wait3A_121, %dma_wait3A_122] : memref<2x128x128xf32, #tpu.memory_space<vmem>> -> memref<1x128x128xf32, #tpu.memory_space<vmem>>
        %dma_wait3A_124 = tpu.memref_squeeze %dma_wait3A_123 : memref<1x128x128xf32, #tpu.memory_space<vmem>> -> memref<128x128xf32, #tpu.memory_space<vmem>>
        %dma_wait3A_125 = arith.constant 0 : i32
        %dma_wait3A_126 = tpu.memref_slice %arg7[%sub3A_119, %dma_wait3A_125] : memref<40x128xi32, #tpu.memory_space<vmem>> -> memref<1x128xi32, #tpu.memory_space<vmem>>
        %dma_wait3A_127 = tpu.memref_squeeze %dma_wait3A_126 : memref<1x128xi32, #tpu.memory_space<vmem>> -> memref<128xi32, #tpu.memory_space<vmem>>
        %dma_wait3A_128 = arith.constant 0 : i32
        %dma_wait3A_129 = arith.constant 0 : i32
        %dma_wait3A_130 = tpu.memref_slice %arg9[%dma_wait3A_128, %dma_wait3A_129] : memref<10240x128xf32, #tpu.memory_space<vmem_shared>> -> memref<10240x128xf32, #tpu.memory_space<vmem_shared>>
        tpu.wait_indirect_dma semaphore(%arg11 : memref<!tpu.dma_semaphore, #tpu.memory_space<semaphore_mem>>) src(%dma_wait3A_124 : memref<128x128xf32, #tpu.memory_space<vmem>>) dst(%dma_wait3A_130 : memref<10240x128xf32, #tpu.memory_space<vmem_shared>>)
        %add3A_131 = arith.constant 1 : i32
        %add3A_132 = arith.addi %add3A_118, %add3A_131 : i32
        %dma_start3A_133 = arith.constant 0 : i32
        %dma_start3A_134 = arith.constant 0 : i32
        %dma_start3A_135 = arith.constant 0 : i32
        %dma_start3A_136 = tpu.memref_slice %arg8[%dma_start3A_133, %dma_start3A_134, %dma_start3A_135] : memref<2x128x128xf32, #tpu.memory_space<vmem>> -> memref<1x128x128xf32, #tpu.memory_space<vmem>>
        %dma_start3A_137 = tpu.memref_squeeze %dma_start3A_136 : memref<1x128x128xf32, #tpu.memory_space<vmem>> -> memref<128x128xf32, #tpu.memory_space<vmem>>
        %dma_start3A_138 = arith.constant 0 : i32
        %dma_start3A_139 = tpu.memref_slice %arg6[%add3A_132, %dma_start3A_138] : memref<40x128xi32, #tpu.memory_space<vmem>> -> memref<1x128xi32, #tpu.memory_space<vmem>>
        %dma_start3A_140 = tpu.memref_squeeze %dma_start3A_139 : memref<1x128xi32, #tpu.memory_space<vmem>> -> memref<128xi32, #tpu.memory_space<vmem>>
        %dma_start3A_141 = arith.constant 0 : i32
        %dma_start3A_142 = arith.constant 0 : i32
        %dma_start3A_143 = tpu.memref_slice %arg2[%dma_start3A_141, %dma_start3A_142] : memref<10000x128xf32, #tpu.memory_space<hbm>> -> memref<10000x128xf32, #tpu.memory_space<hbm>>
        tpu.enqueue_indirect_dma source(%dma_start3A_143 : memref<10000x128xf32, #tpu.memory_space<hbm>>) target(%dma_start3A_137 : memref<128x128xf32, #tpu.memory_space<vmem>>) offsets(%dma_start3A_140 : memref<128xi32, #tpu.memory_space<vmem>>) semaphore(%arg10 : memref<!tpu.dma_semaphore, #tpu.memory_space<semaphore_mem>>)
        %dma_wait3A_144 = arith.constant 1 : i32
        %dma_wait3A_145 = arith.constant 0 : i32
        %dma_wait3A_146 = arith.constant 0 : i32
        %dma_wait3A_147 = tpu.memref_slice %arg8[%dma_wait3A_144, %dma_wait3A_145, %dma_wait3A_146] : memref<2x128x128xf32, #tpu.memory_space<vmem>> -> memref<1x128x128xf32, #tpu.memory_space<vmem>>
        %dma_wait3A_148 = tpu.memref_squeeze %dma_wait3A_147 : memref<1x128x128xf32, #tpu.memory_space<vmem>> -> memref<128x128xf32, #tpu.memory_space<vmem>>
        %dma_wait3A_149 = arith.constant 0 : i32
        %dma_wait3A_150 = tpu.memref_slice %arg6[%add3A_118, %dma_wait3A_149] : memref<40x128xi32, #tpu.memory_space<vmem>> -> memref<1x128xi32, #tpu.memory_space<vmem>>
        %dma_wait3A_151 = tpu.memref_squeeze %dma_wait3A_150 : memref<1x128xi32, #tpu.memory_space<vmem>> -> memref<128xi32, #tpu.memory_space<vmem>>
        %dma_wait3A_152 = arith.constant 0 : i32
        %dma_wait3A_153 = arith.constant 0 : i32
        %dma_wait3A_154 = tpu.memref_slice %arg2[%dma_wait3A_152, %dma_wait3A_153] : memref<10000x128xf32, #tpu.memory_space<hbm>> -> memref<10000x128xf32, #tpu.memory_space<hbm>>
        tpu.wait_indirect_dma semaphore(%arg10 : memref<!tpu.dma_semaphore, #tpu.memory_space<semaphore_mem>>) src(%dma_wait3A_154 : memref<10000x128xf32, #tpu.memory_space<hbm>>) dst(%dma_wait3A_148 : memref<128x128xf32, #tpu.memory_space<vmem>>)
        %dma_start3A_155 = arith.constant 1 : i32
        %dma_start3A_156 = arith.constant 0 : i32
        %dma_start3A_157 = arith.constant 0 : i32
        %dma_start3A_158 = tpu.memref_slice %arg8[%dma_start3A_155, %dma_start3A_156, %dma_start3A_157] : memref<2x128x128xf32, #tpu.memory_space<vmem>> -> memref<1x128x128xf32, #tpu.memory_space<vmem>>
        %dma_start3A_159 = tpu.memref_squeeze %dma_start3A_158 : memref<1x128x128xf32, #tpu.memory_space<vmem>> -> memref<128x128xf32, #tpu.memory_space<vmem>>
        %dma_start3A_160 = arith.constant 0 : i32
        %dma_start3A_161 = tpu.memref_slice %arg7[%add3A_118, %dma_start3A_160] : memref<40x128xi32, #tpu.memory_space<vmem>> -> memref<1x128xi32, #tpu.memory_space<vmem>>
        %dma_start3A_162 = tpu.memref_squeeze %dma_start3A_161 : memref<1x128xi32, #tpu.memory_space<vmem>> -> memref<128xi32, #tpu.memory_space<vmem>>
        %dma_start3A_163 = arith.constant 0 : i32
        %dma_start3A_164 = arith.constant 0 : i32
        %dma_start3A_165 = tpu.memref_slice %arg9[%dma_start3A_163, %dma_start3A_164] : memref<10240x128xf32, #tpu.memory_space<vmem_shared>> -> memref<10240x128xf32, #tpu.memory_space<vmem_shared>>
        tpu.enqueue_indirect_dma source(%dma_start3A_159 : memref<128x128xf32, #tpu.memory_space<vmem>>) target(%dma_start3A_165 : memref<10240x128xf32, #tpu.memory_space<vmem_shared>>) offsets(%dma_start3A_162 : memref<128xi32, #tpu.memory_space<vmem>>) semaphore(%arg11 : memref<!tpu.dma_semaphore, #tpu.memory_space<semaphore_mem>>) {add = true}
        %mul3A_166 = arith.constant 2 : i32
        %mul3A_167 = arith.muli %mul3A_166, %scan3A_111 : i32
        %add3A_168 = arith.constant 1 : i32
        %add3A_169 = arith.addi %mul3A_167, %add3A_168 : i32
        %add3A_170 = arith.constant 1 : i32
        %add3A_171 = arith.addi %add3A_169, %add3A_170 : i32
        %sub3A_172 = arith.constant 1 : i32
        %sub3A_173 = arith.subi %add3A_171, %sub3A_172 : i32
        %dma_wait3A_174 = arith.constant 1 : i32
        %dma_wait3A_175 = arith.constant 0 : i32
        %dma_wait3A_176 = arith.constant 0 : i32
        %dma_wait3A_177 = tpu.memref_slice %arg8[%dma_wait3A_174, %dma_wait3A_175, %dma_wait3A_176] : memref<2x128x128xf32, #tpu.memory_space<vmem>> -> memref<1x128x128xf32, #tpu.memory_space<vmem>>
        %dma_wait3A_178 = tpu.memref_squeeze %dma_wait3A_177 : memref<1x128x128xf32, #tpu.memory_space<vmem>> -> memref<128x128xf32, #tpu.memory_space<vmem>>
        %dma_wait3A_179 = arith.constant 0 : i32
        %dma_wait3A_180 = tpu.memref_slice %arg7[%sub3A_173, %dma_wait3A_179] : memref<40x128xi32, #tpu.memory_space<vmem>> -> memref<1x128xi32, #tpu.memory_space<vmem>>
        %dma_wait3A_181 = tpu.memref_squeeze %dma_wait3A_180 : memref<1x128xi32, #tpu.memory_space<vmem>> -> memref<128xi32, #tpu.memory_space<vmem>>
        %dma_wait3A_182 = arith.constant 0 : i32
        %dma_wait3A_183 = arith.constant 0 : i32
        %dma_wait3A_184 = tpu.memref_slice %arg9[%dma_wait3A_182, %dma_wait3A_183] : memref<10240x128xf32, #tpu.memory_space<vmem_shared>> -> memref<10240x128xf32, #tpu.memory_space<vmem_shared>>
        tpu.wait_indirect_dma semaphore(%arg11 : memref<!tpu.dma_semaphore, #tpu.memory_space<semaphore_mem>>) src(%dma_wait3A_178 : memref<128x128xf32, #tpu.memory_space<vmem>>) dst(%dma_wait3A_184 : memref<10240x128xf32, #tpu.memory_space<vmem_shared>>)
        %add3A_185 = arith.constant 1 : i32
        %add3A_186 = arith.addi %add3A_171, %add3A_185 : i32
        %dma_start3A_187 = arith.constant 1 : i32
        %dma_start3A_188 = arith.constant 0 : i32
        %dma_start3A_189 = arith.constant 0 : i32
        %dma_start3A_190 = tpu.memref_slice %arg8[%dma_start3A_187, %dma_start3A_188, %dma_start3A_189] : memref<2x128x128xf32, #tpu.memory_space<vmem>> -> memref<1x128x128xf32, #tpu.memory_space<vmem>>
        %dma_start3A_191 = tpu.memref_squeeze %dma_start3A_190 : memref<1x128x128xf32, #tpu.memory_space<vmem>> -> memref<128x128xf32, #tpu.memory_space<vmem>>
        %dma_start3A_192 = arith.constant 0 : i32
        %dma_start3A_193 = tpu.memref_slice %arg6[%add3A_186, %dma_start3A_192] : memref<40x128xi32, #tpu.memory_space<vmem>> -> memref<1x128xi32, #tpu.memory_space<vmem>>
        %dma_start3A_194 = tpu.memref_squeeze %dma_start3A_193 : memref<1x128xi32, #tpu.memory_space<vmem>> -> memref<128xi32, #tpu.memory_space<vmem>>
        %dma_start3A_195 = arith.constant 0 : i32
        %dma_start3A_196 = arith.constant 0 : i32
        %dma_start3A_197 = tpu.memref_slice %arg2[%dma_start3A_195, %dma_start3A_196] : memref<10000x128xf32, #tpu.memory_space<hbm>> -> memref<10000x128xf32, #tpu.memory_space<hbm>>
        tpu.enqueue_indirect_dma source(%dma_start3A_197 : memref<10000x128xf32, #tpu.memory_space<hbm>>) target(%dma_start3A_191 : memref<128x128xf32, #tpu.memory_space<vmem>>) offsets(%dma_start3A_194 : memref<128xi32, #tpu.memory_space<vmem>>) semaphore(%arg10 : memref<!tpu.dma_semaphore, #tpu.memory_space<semaphore_mem>>)
        %dma_wait3A_198 = arith.constant 0 : i32
        %dma_wait3A_199 = arith.constant 0 : i32
        %dma_wait3A_200 = arith.constant 0 : i32
        %dma_wait3A_201 = tpu.memref_slice %arg8[%dma_wait3A_198, %dma_wait3A_199, %dma_wait3A_200] : memref<2x128x128xf32, #tpu.memory_space<vmem>> -> memref<1x128x128xf32, #tpu.memory_space<vmem>>
        %dma_wait3A_202 = tpu.memref_squeeze %dma_wait3A_201 : memref<1x128x128xf32, #tpu.memory_space<vmem>> -> memref<128x128xf32, #tpu.memory_space<vmem>>
        %dma_wait3A_203 = arith.constant 0 : i32
        %dma_wait3A_204 = tpu.memref_slice %arg6[%add3A_171, %dma_wait3A_203] : memref<40x128xi32, #tpu.memory_space<vmem>> -> memref<1x128xi32, #tpu.memory_space<vmem>>
        %dma_wait3A_205 = tpu.memref_squeeze %dma_wait3A_204 : memref<1x128xi32, #tpu.memory_space<vmem>> -> memref<128xi32, #tpu.memory_space<vmem>>
        %dma_wait3A_206 = arith.constant 0 : i32
        %dma_wait3A_207 = arith.constant 0 : i32
        %dma_wait3A_208 = tpu.memref_slice %arg2[%dma_wait3A_206, %dma_wait3A_207] : memref<10000x128xf32, #tpu.memory_space<hbm>> -> memref<10000x128xf32, #tpu.memory_space<hbm>>
        tpu.wait_indirect_dma semaphore(%arg10 : memref<!tpu.dma_semaphore, #tpu.memory_space<semaphore_mem>>) src(%dma_wait3A_208 : memref<10000x128xf32, #tpu.memory_space<hbm>>) dst(%dma_wait3A_202 : memref<128x128xf32, #tpu.memory_space<vmem>>)
        %dma_start3A_209 = arith.constant 0 : i32
        %dma_start3A_210 = arith.constant 0 : i32
        %dma_start3A_211 = arith.constant 0 : i32
        %dma_start3A_212 = tpu.memref_slice %arg8[%dma_start3A_209, %dma_start3A_210, %dma_start3A_211] : memref<2x128x128xf32, #tpu.memory_space<vmem>> -> memref<1x128x128xf32, #tpu.memory_space<vmem>>
        %dma_start3A_213 = tpu.memref_squeeze %dma_start3A_212 : memref<1x128x128xf32, #tpu.memory_space<vmem>> -> memref<128x128xf32, #tpu.memory_space<vmem>>
        %dma_start3A_214 = arith.constant 0 : i32
        %dma_start3A_215 = tpu.memref_slice %arg7[%add3A_171, %dma_start3A_214] : memref<40x128xi32, #tpu.memory_space<vmem>> -> memref<1x128xi32, #tpu.memory_space<vmem>>
        %dma_start3A_216 = tpu.memref_squeeze %dma_start3A_215 : memref<1x128xi32, #tpu.memory_space<vmem>> -> memref<128xi32, #tpu.memory_space<vmem>>
        %dma_start3A_217 = arith.constant 0 : i32
        %dma_start3A_218 = arith.constant 0 : i32
        %dma_start3A_219 = tpu.memref_slice %arg9[%dma_start3A_217, %dma_start3A_218] : memref<10240x128xf32, #tpu.memory_space<vmem_shared>> -> memref<10240x128xf32, #tpu.memory_space<vmem_shared>>
        tpu.enqueue_indirect_dma source(%dma_start3A_213 : memref<128x128xf32, #tpu.memory_space<vmem>>) target(%dma_start3A_219 : memref<10240x128xf32, #tpu.memory_space<vmem_shared>>) offsets(%dma_start3A_216 : memref<128xi32, #tpu.memory_space<vmem>>) semaphore(%arg11 : memref<!tpu.dma_semaphore, #tpu.memory_space<semaphore_mem>>) {add = true}
        %scan3A_220 = arith.constant 0 : i32
        scf.yield %scan3A_220 : i32
      }
      %scan3A_62 = arith.constant 9 : i32
      %dma_wait3A_63 = arith.constant 19 : i32
      %dma_wait3A_64 = arith.constant 1 : i32
      %dma_wait3A_65 = arith.constant 0 : i32
      %dma_wait3A_66 = arith.constant 0 : i32
      %dma_wait3A_67 = tpu.memref_slice %arg8[%dma_wait3A_64, %dma_wait3A_65, %dma_wait3A_66] : memref<2x128x128xf32, #tpu.memory_space<vmem>> -> memref<1x128x128xf32, #tpu.memory_space<vmem>>
      %dma_wait3A_68 = tpu.memref_squeeze %dma_wait3A_67 : memref<1x128x128xf32, #tpu.memory_space<vmem>> -> memref<128x128xf32, #tpu.memory_space<vmem>>
      %dma_wait3A_69 = arith.constant 0 : i32
      %dma_wait3A_70 = tpu.memref_slice %arg6[%dma_wait3A_63, %dma_wait3A_69] : memref<40x128xi32, #tpu.memory_space<vmem>> -> memref<1x128xi32, #tpu.memory_space<vmem>>
      %dma_wait3A_71 = tpu.memref_squeeze %dma_wait3A_70 : memref<1x128xi32, #tpu.memory_space<vmem>> -> memref<128xi32, #tpu.memory_space<vmem>>
      %dma_wait3A_72 = arith.constant 0 : i32
      %dma_wait3A_73 = arith.constant 0 : i32
      %dma_wait3A_74 = tpu.memref_slice %arg2[%dma_wait3A_72, %dma_wait3A_73] : memref<10000x128xf32, #tpu.memory_space<hbm>> -> memref<10000x128xf32, #tpu.memory_space<hbm>>
      tpu.wait_indirect_dma semaphore(%arg10 : memref<!tpu.dma_semaphore, #tpu.memory_space<semaphore_mem>>) src(%dma_wait3A_74 : memref<10000x128xf32, #tpu.memory_space<hbm>>) dst(%dma_wait3A_68 : memref<128x128xf32, #tpu.memory_space<vmem>>)
      %dma_start3A_75 = arith.constant 1 : i32
      %dma_start3A_76 = arith.constant 19 : i32
      %dma_start3A_77 = arith.constant 0 : i32
      %dma_start3A_78 = arith.constant 0 : i32
      %dma_start3A_79 = tpu.memref_slice %arg8[%dma_start3A_75, %dma_start3A_77, %dma_start3A_78] : memref<2x128x128xf32, #tpu.memory_space<vmem>> -> memref<1x128x128xf32, #tpu.memory_space<vmem>>
      %dma_start3A_80 = tpu.memref_squeeze %dma_start3A_79 : memref<1x128x128xf32, #tpu.memory_space<vmem>> -> memref<128x128xf32, #tpu.memory_space<vmem>>
      %dma_start3A_81 = arith.constant 0 : i32
      %dma_start3A_82 = tpu.memref_slice %arg7[%dma_start3A_76, %dma_start3A_81] : memref<40x128xi32, #tpu.memory_space<vmem>> -> memref<1x128xi32, #tpu.memory_space<vmem>>
      %dma_start3A_83 = tpu.memref_squeeze %dma_start3A_82 : memref<1x128xi32, #tpu.memory_space<vmem>> -> memref<128xi32, #tpu.memory_space<vmem>>
      %dma_start3A_84 = arith.constant 0 : i32
      %dma_start3A_85 = arith.constant 0 : i32
      %dma_start3A_86 = tpu.memref_slice %arg9[%dma_start3A_84, %dma_start3A_85] : memref<10240x128xf32, #tpu.memory_space<vmem_shared>> -> memref<10240x128xf32, #tpu.memory_space<vmem_shared>>
      tpu.enqueue_indirect_dma source(%dma_start3A_80 : memref<128x128xf32, #tpu.memory_space<vmem>>) target(%dma_start3A_86 : memref<10240x128xf32, #tpu.memory_space<vmem_shared>>) offsets(%dma_start3A_83 : memref<128xi32, #tpu.memory_space<vmem>>) semaphore(%arg11 : memref<!tpu.dma_semaphore, #tpu.memory_space<semaphore_mem>>) {add = true}
      %dma_wait3A_87 = arith.constant 0 : i32
      %dma_wait3A_88 = arith.constant 18 : i32
      %dma_wait3A_89 = arith.constant 0 : i32
      %dma_wait3A_90 = arith.constant 0 : i32
      %dma_wait3A_91 = tpu.memref_slice %arg8[%dma_wait3A_87, %dma_wait3A_89, %dma_wait3A_90] : memref<2x128x128xf32, #tpu.memory_space<vmem>> -> memref<1x128x128xf32, #tpu.memory_space<vmem>>
      %dma_wait3A_92 = tpu.memref_squeeze %dma_wait3A_91 : memref<1x128x128xf32, #tpu.memory_space<vmem>> -> memref<128x128xf32, #tpu.memory_space<vmem>>
      %dma_wait3A_93 = arith.constant 0 : i32
      %dma_wait3A_94 = tpu.memref_slice %arg7[%dma_wait3A_88, %dma_wait3A_93] : memref<40x128xi32, #tpu.memory_space<vmem>> -> memref<1x128xi32, #tpu.memory_space<vmem>>
      %dma_wait3A_95 = tpu.memref_squeeze %dma_wait3A_94 : memref<1x128xi32, #tpu.memory_space<vmem>> -> memref<128xi32, #tpu.memory_space<vmem>>
      %dma_wait3A_96 = arith.constant 0 : i32
      %dma_wait3A_97 = arith.constant 0 : i32
      %dma_wait3A_98 = tpu.memref_slice %arg9[%dma_wait3A_96, %dma_wait3A_97] : memref<10240x128xf32, #tpu.memory_space<vmem_shared>> -> memref<10240x128xf32, #tpu.memory_space<vmem_shared>>
      tpu.wait_indirect_dma semaphore(%arg11 : memref<!tpu.dma_semaphore, #tpu.memory_space<semaphore_mem>>) src(%dma_wait3A_92 : memref<128x128xf32, #tpu.memory_space<vmem>>) dst(%dma_wait3A_98 : memref<10240x128xf32, #tpu.memory_space<vmem_shared>>)
      %dma_wait3A_99 = arith.constant 1 : i32
      %dma_wait3A_100 = arith.constant 19 : i32
      %dma_wait3A_101 = arith.constant 0 : i32
      %dma_wait3A_102 = arith.constant 0 : i32
      %dma_wait3A_103 = tpu.memref_slice %arg8[%dma_wait3A_99, %dma_wait3A_101, %dma_wait3A_102] : memref<2x128x128xf32, #tpu.memory_space<vmem>> -> memref<1x128x128xf32, #tpu.memory_space<vmem>>
      %dma_wait3A_104 = tpu.memref_squeeze %dma_wait3A_103 : memref<1x128x128xf32, #tpu.memory_space<vmem>> -> memref<128x128xf32, #tpu.memory_space<vmem>>
      %dma_wait3A_105 = arith.constant 0 : i32
      %dma_wait3A_106 = tpu.memref_slice %arg7[%dma_wait3A_100, %dma_wait3A_105] : memref<40x128xi32, #tpu.memory_space<vmem>> -> memref<1x128xi32, #tpu.memory_space<vmem>>
      %dma_wait3A_107 = tpu.memref_squeeze %dma_wait3A_106 : memref<1x128xi32, #tpu.memory_space<vmem>> -> memref<128xi32, #tpu.memory_space<vmem>>
      %dma_wait3A_108 = arith.constant 0 : i32
      %dma_wait3A_109 = arith.constant 0 : i32
      %dma_wait3A_110 = tpu.memref_slice %arg9[%dma_wait3A_108, %dma_wait3A_109] : memref<10240x128xf32, #tpu.memory_space<vmem_shared>> -> memref<10240x128xf32, #tpu.memory_space<vmem_shared>>
      tpu.wait_indirect_dma semaphore(%arg11 : memref<!tpu.dma_semaphore, #tpu.memory_space<semaphore_mem>>) src(%dma_wait3A_104 : memref<128x128xf32, #tpu.memory_space<vmem>>) dst(%dma_wait3A_110 : memref<10240x128xf32, #tpu.memory_space<vmem_shared>>)
    } else {
    }
    %barrier3A_9 = arith.constant 0 : index
    tpu.barrier barrier_id(%barrier3A_9)
    "tpu.region"() ({
      %run_scoped3A = tpu.sem_alloc : memref<!tpu.dma_semaphore, #tpu.memory_space<semaphore_mem>>
      %dma_start3A = arith.constant 0 : i32
      %dma_start3A_10 = tpu.memref_slice %arg5[%arg0, %mul3A_2, %dma_start3A] : memref<2x10240x128xf32, #tpu.memory_space<hbm>> -> memref<1x640x128xf32, #tpu.memory_space<hbm>>
      %dma_start3A_11 = tpu.memref_squeeze %dma_start3A_10 : memref<1x640x128xf32, #tpu.memory_space<hbm>> -> memref<640x128xf32, #tpu.memory_space<hbm>>
      %dma_start3A_12 = arith.constant 0 : i32
      %dma_start3A_13 = tpu.memref_slice %arg9[%mul3A_2, %dma_start3A_12] : memref<10240x128xf32, #tpu.memory_space<vmem_shared>> -> memref<640x128xf32, #tpu.memory_space<vmem_shared>>
      tpu.enqueue_dma source(%dma_start3A_13 : memref<640x128xf32, #tpu.memory_space<vmem_shared>>) target(%dma_start3A_11 : memref<640x128xf32, #tpu.memory_space<hbm>>) target_semaphore(%run_scoped3A : memref<!tpu.dma_semaphore, #tpu.memory_space<semaphore_mem>>)
      %dma_wait3A = arith.constant 0 : i32
      %dma_wait3A_14 = tpu.memref_slice %arg5[%arg0, %mul3A_2, %dma_wait3A] : memref<2x10240x128xf32, #tpu.memory_space<hbm>> -> memref<1x640x128xf32, #tpu.memory_space<hbm>>
      %dma_wait3A_15 = tpu.memref_squeeze %dma_wait3A_14 : memref<1x640x128xf32, #tpu.memory_space<hbm>> -> memref<640x128xf32, #tpu.memory_space<hbm>>
      %dma_wait3A_16 = arith.constant 0 : i32
      %dma_wait3A_17 = tpu.memref_slice %arg9[%mul3A_2, %dma_wait3A_16] : memref<10240x128xf32, #tpu.memory_space<vmem_shared>> -> memref<640x128xf32, #tpu.memory_space<vmem_shared>>
      tpu.wait_dma2 semaphore(%run_scoped3A : memref<!tpu.dma_semaphore, #tpu.memory_space<semaphore_mem>>) src(%dma_wait3A_17 : memref<640x128xf32, #tpu.memory_space<vmem_shared>>) dst(%dma_wait3A_15 : memref<640x128xf32, #tpu.memory_space<hbm>>)
      tpu.yield
    }) : () -> ()
    return
  }
}

module attributes {stable_mosaic.version = 14 : i64} {
  func.func @_tc_scale_body(%arg0: memref<10000x128xf32, #tpu.memory_space<vmem>>, %arg1: memref<32x10240xf32, #tpu.memory_space<vmem>>, %arg2: memref<10000x128xf32, #tpu.memory_space<vmem>>, %arg3: memref<10000x1xf32, #tpu.memory_space<vmem>>) attributes {dimension_semantics = [], scalar_prefetch = 0 : i64, scratch_operands = 0 : i64, tpu.core_type = #tpu.core_type<tc>} {
    %get3A = arith.constant 0 : index
    %get3A_0 = arith.constant 0 : index
    %get3A_1 = vector.load %arg1[%get3A, %get3A_0] : memref<32x10240xf32, #tpu.memory_space<vmem>>, vector<32x10240xf32>
    %reduce_sum3A = arith.constant dense<0.000000e+00> : vector<10240xf32>
    %reduce_sum3A_2 = vector.multi_reduction <add>, %get3A_1, %reduce_sum3A [0] : vector<32x10240xf32> to vector<10240xf32>
    %add3A = arith.constant 1.000000e+00 : f32
    %add3A_3 = vector.broadcast %add3A : f32 to vector<10240xf32>
    %add3A_4 = arith.addf %reduce_sum3A_2, %add3A_3 : vector<10240xf32>
    %rsqrt3A = math.rsqrt %add3A_4 : vector<10240xf32>
    %slice3A = vector.extract_strided_slice %rsqrt3A {offsets = [0], sizes = [10000], strides = [1]} : vector<10240xf32> to vector<10000xf32>
    %broadcast_in_dim3A = vector.shape_cast %slice3A : vector<10000xf32> to vector<10000x1xf32>
    %get3A_5 = arith.constant 0 : index
    %get3A_6 = arith.constant 0 : index
    %get3A_7 = vector.load %arg0[%get3A_5, %get3A_6] : memref<10000x128xf32, #tpu.memory_space<vmem>>, vector<10000x128xf32>
    %mul3A = vector.broadcast %broadcast_in_dim3A : vector<10000x1xf32> to vector<10000x128xf32>
    %mul3A_8 = arith.mulf %get3A_7, %mul3A : vector<10000x128xf32>
    %swap3A = arith.constant 0 : index
    %swap3A_9 = arith.constant 0 : index
    %swap3A_10 = vector.load %arg2[%swap3A, %swap3A_9] : memref<10000x128xf32, #tpu.memory_space<vmem>>, vector<10000x128xf32>
    tpu.vector_store %arg2[%swap3A, %swap3A_9], %mul3A_8 {strides = array<i32>} : memref<10000x128xf32, #tpu.memory_space<vmem>>, vector<10000x128xf32>,
    %swap3A_11 = arith.constant 0 : index
    %swap3A_12 = arith.constant 0 : index
    %swap3A_13 = vector.load %arg3[%swap3A_11, %swap3A_12] : memref<10000x1xf32, #tpu.memory_space<vmem>>, vector<10000x1xf32>
    tpu.vector_store %arg3[%swap3A_11, %swap3A_12], %broadcast_in_dim3A {strides = array<i32>} : memref<10000x1xf32, #tpu.memory_space<vmem>>, vector<10000x1xf32>,
    return
  }
}

module attributes {stable_mosaic.version = 14 : i64} {
  func.func @_tc_matmul_body(%arg0: i32, %arg1: memref<1000x128xf32, #tpu.memory_space<vmem>>, %arg2: memref<128x128xf32, #tpu.memory_space<vmem>>, %arg3: memref<1000x128xf32, #tpu.memory_space<vmem>>) attributes {dimension_semantics = [#tpu.dimension_semantics<arbitrary>], iteration_bounds = array<i64: 10>, scalar_prefetch = 0 : i64, scratch_operands = 0 : i64, tpu.core_type = #tpu.core_type<tc>, window_params = [{transform_indices = @transform_0, window_bounds = array<i64: 1000, 128>}, {pipeline_mode = #tpu.pipeline_mode<synchronous>, transform_indices = @transform_1, window_bounds = array<i64: 128, 128>}, {transform_indices = @transform_2, window_bounds = array<i64: 1000, 128>}]} {
    %get3A = arith.constant 0 : index
    %get3A_0 = arith.constant 0 : index
    %get3A_1 = vector.load %arg1[%get3A, %get3A_0] : memref<1000x128xf32, #tpu.memory_space<vmem>>, vector<1000x128xf32>
    %get3A_2 = arith.constant 0 : index
    %get3A_3 = arith.constant 0 : index
    %get3A_4 = vector.load %arg2[%get3A_2, %get3A_3] : memref<128x128xf32, #tpu.memory_space<vmem>>, vector<128x128xf32>
    %dot_general3A = arith.constant dense<0.000000e+00> : vector<1000x128xf32>
    %dot_general3A_5 = tpu.matmul %get3A_1, %get3A_4, %dot_general3A {dimension_numbers = #tpu.dot_dimension_numbers<[1], [0], [0], [1], [0, 0, 1, 1], [], []>, transpose_lhs_hint = false} : vector<1000x128xf32>, vector<128x128xf32>, vector<1000x128xf32> -> vector<1000x128xf32>
    %swap3A = arith.constant 0 : index
    %swap3A_6 = arith.constant 0 : index
    %swap3A_7 = vector.load %arg3[%swap3A, %swap3A_6] : memref<1000x128xf32, #tpu.memory_space<vmem>>, vector<1000x128xf32>
    tpu.vector_store %arg3[%swap3A, %swap3A_6], %dot_general3A_5 {strides = array<i32>} : memref<1000x128xf32, #tpu.memory_space<vmem>>, vector<1000x128xf32>,
    return
  }
  func.func @transform_0(%arg0: i32) -> (i32, i32) {
    %c0_i32 = arith.constant 0 : i32
    %c0_i32_0 = arith.constant 0 : i32
    return %arg0, %c0_i32 : i32, i32
  }
  func.func @transform_1(%arg0: i32) -> (i32, i32) {
    %c0_i32 = arith.constant 0 : i32
    %c0_i32_0 = arith.constant 0 : i32
    %c0_i32_1 = arith.constant 0 : i32
    return %c0_i32, %c0_i32_0 : i32, i32
  }
  func.func @transform_2(%arg0: i32) -> (i32, i32) {
    %c0_i32 = arith.constant 0 : i32
    %c0_i32_0 = arith.constant 0 : i32
    return %arg0, %c0_i32 : i32, i32
  }
}

module attributes {stable_mosaic.version = 14 : i64} {
  func.func @_tc_final_body(%arg0: i32, %arg1: memref<1x1000x128xf32, #tpu.memory_space<vmem>>, %arg2: memref<1x1000x128xf32, #tpu.memory_space<vmem>>, %arg3: memref<1000x128xf32, #tpu.memory_space<vmem>>, %arg4: memref<1000x1xf32, #tpu.memory_space<vmem>>, %arg5: memref<1x128xf32, #tpu.memory_space<vmem>>, %arg6: memref<1x128xf32, #tpu.memory_space<vmem>>, %arg7: memref<1000x128xf32, #tpu.memory_space<vmem>>) attributes {dimension_semantics = [#tpu.dimension_semantics<arbitrary>], iteration_bounds = array<i64: 10>, scalar_prefetch = 0 : i64, scratch_operands = 0 : i64, tpu.core_type = #tpu.core_type<tc>, window_params = [{transform_indices = @transform_0, window_bounds = array<i64: 1, 1000, 128>}, {transform_indices = @transform_1, window_bounds = array<i64: 1, 1000, 128>}, {transform_indices = @transform_2, window_bounds = array<i64: 1000, 128>}, {transform_indices = @transform_3, window_bounds = array<i64: 1000, 1>}, {pipeline_mode = #tpu.pipeline_mode<synchronous>, transform_indices = @transform_4, window_bounds = array<i64: 1, 128>}, {pipeline_mode = #tpu.pipeline_mode<synchronous>, transform_indices = @transform_5, window_bounds = array<i64: 1, 128>}, {transform_indices = @transform_6, window_bounds = array<i64: 1000, 128>}]} {
    %get3A = arith.constant 0 : index
    %get3A_0 = arith.constant 0 : index
    %get3A_1 = arith.constant 0 : index
    %get3A_2 = vector.load %arg1[%get3A, %get3A_0, %get3A_1] : memref<1x1000x128xf32, #tpu.memory_space<vmem>>, vector<1x1000x128xf32>
    %get3A_3 = vector.shape_cast %get3A_2 : vector<1x1000x128xf32> to vector<1000x128xf32>
    %get3A_4 = arith.constant 0 : index
    %get3A_5 = arith.constant 0 : index
    %get3A_6 = arith.constant 0 : index
    %get3A_7 = vector.load %arg2[%get3A_4, %get3A_5, %get3A_6] : memref<1x1000x128xf32, #tpu.memory_space<vmem>>, vector<1x1000x128xf32>
    %get3A_8 = vector.shape_cast %get3A_7 : vector<1x1000x128xf32> to vector<1000x128xf32>
    %get3A_9 = arith.constant 0 : index
    %get3A_10 = arith.constant 0 : index
    %get3A_11 = vector.load %arg4[%get3A_9, %get3A_10] : memref<1000x1xf32, #tpu.memory_space<vmem>>, vector<1000x1xf32>
    %add3A = arith.addf %get3A_3, %get3A_8 : vector<1000x128xf32>
    %get3A_12 = arith.constant 0 : index
    %get3A_13 = arith.constant 0 : index
    %get3A_14 = vector.load %arg3[%get3A_12, %get3A_13] : memref<1000x128xf32, #tpu.memory_space<vmem>>, vector<1000x128xf32>
    %add3A_15 = arith.addf %add3A, %get3A_14 : vector<1000x128xf32>
    %mul3A = vector.broadcast %get3A_11 : vector<1000x1xf32> to vector<1000x128xf32>
    %mul3A_16 = arith.mulf %mul3A, %add3A_15 : vector<1000x128xf32>
    %get3A_17 = arith.constant 0 : index
    %get3A_18 = arith.constant 0 : index
    %get3A_19 = vector.load %arg5[%get3A_17, %get3A_18] : memref<1x128xf32, #tpu.memory_space<vmem>>, vector<1x128xf32>
    %add3A_20 = vector.broadcast %get3A_19 : vector<1x128xf32> to vector<1000x128xf32>
    %add3A_21 = arith.addf %mul3A_16, %add3A_20 : vector<1000x128xf32>
    %ge3A = arith.constant 0.000000e+00 : f32
    %ge3A_22 = vector.broadcast %ge3A : f32 to vector<1000x128xf32>
    %ge3A_23 = arith.cmpf oge, %add3A_21, %ge3A_22 : vector<1000x128xf32>
    %get3A_24 = arith.constant 0 : index
    %get3A_25 = arith.constant 0 : index
    %get3A_26 = vector.load %arg6[%get3A_24, %get3A_25] : memref<1x128xf32, #tpu.memory_space<vmem>>, vector<1x128xf32>
    %mul3A_27 = vector.broadcast %get3A_26 : vector<1x128xf32> to vector<1000x128xf32>
    %mul3A_28 = arith.mulf %mul3A_27, %add3A_21 : vector<1000x128xf32>
    %select_n3A = arith.select %ge3A_23, %add3A_21, %mul3A_28 : vector<1000x128xi1>, vector<1000x128xf32>
    %swap3A = arith.constant 0 : index
    %swap3A_29 = arith.constant 0 : index
    %swap3A_30 = vector.load %arg7[%swap3A, %swap3A_29] : memref<1000x128xf32, #tpu.memory_space<vmem>>, vector<1000x128xf32>
    tpu.vector_store %arg7[%swap3A, %swap3A_29], %select_n3A {strides = array<i32>} : memref<1000x128xf32, #tpu.memory_space<vmem>>, vector<1000x128xf32>,
    return
  }
  func.func @transform_0(%arg0: i32) -> (i32, i32, i32) {
    %c0_i32 = arith.constant 0 : i32
    %c0_i32_0 = arith.constant 0 : i32
    %c0_i32_1 = arith.constant 0 : i32
    return %c0_i32, %arg0, %c0_i32_0 : i32, i32, i32
  }
  func.func @transform_1(%arg0: i32) -> (i32, i32, i32) {
    %c1_i32 = arith.constant 1 : i32
    %c0_i32 = arith.constant 0 : i32
    %c0_i32_0 = arith.constant 0 : i32
    return %c1_i32, %arg0, %c0_i32 : i32, i32, i32
  }
  func.func @transform_2(%arg0: i32) -> (i32, i32) {
    %c0_i32 = arith.constant 0 : i32
    %c0_i32_0 = arith.constant 0 : i32
    return %arg0, %c0_i32 : i32, i32
  }
  func.func @transform_3(%arg0: i32) -> (i32, i32) {
    %c0_i32 = arith.constant 0 : i32
    %c0_i32_0 = arith.constant 0 : i32
    return %arg0, %c0_i32 : i32, i32
  }
  func.func @transform_4(%arg0: i32) -> (i32, i32) {
    %c0_i32 = arith.constant 0 : i32
    %c0_i32_0 = arith.constant 0 : i32
    %c0_i32_1 = arith.constant 0 : i32
    return %c0_i32, %c0_i32_0 : i32, i32
  }
  func.func @transform_5(%arg0: i32) -> (i32, i32) {
    %c0_i32 = arith.constant 0 : i32
    %c0_i32_0 = arith.constant 0 : i32
    %c0_i32_1 = arith.constant 0 : i32
    return %c0_i32, %c0_i32_0 : i32, i32
  }
  func.func @transform_6(%arg0: i32) -> (i32, i32) {
    %c0_i32 = arith.constant 0 : i32
    %c0_i32_0 = arith.constant 0 : i32
    return %arg0, %c0_i32 : i32, i32
  }
}

</mosaic_0001>

<sc_bundles>
// kernel: kernel.10.cloned.1.call-start
scs
__scs_entry_jumppad:
0x0: {  	(pc) =	sbr.rel $0x88, $3  }
0x1: {  	(tag) =	ssettag $0x0;
	lr =	simm.s32 $0x1  }
0x2: {  	[smem:$0x3F9C] =	sst lr;
	_ =	strace $0xD0000000  }
0x3: {  	_ = 	snop  }
0x4: {  	_ = 	snop  }
0x5: {  	_ = 	snop  }
0x6: {  	_ = 	snop  }
0x7: {  	_ = 	snop  }
__scs_overlays_trampoline_lowered:
0x8: {  	[smem:$0x3FAB] =	sst s0  }
0x9: {  	[smem:$0x3FAC] =	sst s1  }
0xa: {  	[smem:$0x3FAD] =	sst s2  }
0xb: {  	[smem:$0x3FAE] =	sst s3  }
0xc: {  	[smem:$0x3FAF] =	sst s4  }
0xd: {  	[smem:$0x3FB0] =	sst s5  }
0xe: {  	[smem:$0x3FB1] =	sst s6  }
0xf: {  	[smem:$0x3FB2] =	sst s7  }
0x10: {  	[smem:$0x3FB3] =	sst s8  }
0x11: {  	[smem:$0x3FB4] =	sst s9;
	s0 =	simm.s32 @!p0 $0x0  }
0x12: {  	s1 =	sld [smem:$0x3F9A];
	s0 =	simm.s32 @p0 $0x1  }
0x13: {  	[smem:$0x3FB5] =	sst s0;
	s0 =	simm.s32 @!p1 $0x0  }
0x14: {  	s2 =	sld [smem:$0x3F99];
	s0 =	simm.s32 @p1 $0x1  }
0x15: {  	[smem:$0x3FB6] =	sst s0;
	s0 =	simm.s32 @!p2 $0x0  }
0x16: {  	s3 =	sld [smem:$0x3FDB];
	s0 =	simm.s32 @p2 $0x1  }
0x17: {  	s4 =	simm.s32 $0x1BF5;
	[smem:$0x3FB8] =	sst s0  }
0x18: {  	s0 =	sld [smem:$0x3F9B];
	_ =	swait.ge [sflag:s4], $0x0  }
0x19: {  	s7 =	sld [smem:$0x3F9C]  }
0x1a: {  	s8 =	sadd.s32 $0xFFFFE003, lr  }
0x1b: {  	s9 =	sadd.s32 $0xFFFFFEF7, lr;
	s5 =	simm.s32 $0xFFFFFFFF;
	p2 =	slt.u32 s8, $0xFFFFF086  }
0x1c: {  	p1 =	slt.u32 s9, $0xF7A;
	s5 =	simm.s32 @!p2 $0x0  }
0x1d: {  	s5 =	simm.s32 @p1 $0x1;
	p0 =	seq.s32 s7, s2  }
0x1e: {  	s7 =	smul.u32 @!p0 $0xF7A, s2;
	p2 =	seq.s32 @!p0 s5, $0x0  }
0x1f: {  	s9 =	smul.u32 $0xF7A, s1;
	s8 =	simm.s32 @!p0 $0x1BF5;
	p2 =	por !p2, p0  }
0x20: {  	[sflag:s8] =	ssyncset.s32 @!p0 $0xFFFFF086;
	s6 =	sadd.s32 @!p0 s3, s7;
	s7 =	simm.s32 @!p0 $0x108  }
0x21: {  	s3 =	sadd.s32 s3, s9;
	s6 =	sadd.s32 @!p0 $0x88, s6;
	s7 =	simm.s32 @p2 $0x1082  }
0x22: {  	[simem:s7], [sflag:s8] =	dma.local @!p0 [hbm:s6], $0xF7A  }
0x23: {  	s9 =	sor.u32 $0xD0000000, s2;
	s6 =	simm.s32 $0x108;
	_ =	swait.ge @!p0 [sflag:s8], $0x0  }
0x24: {  	s3 =	sadd.s32 $0x88, s3;
	s6 =	simm.s32 @!p1 $0x1082;
	[sflag:s4] =	ssyncset.s32 $0xFFFFF086  }
0x25: {  	[simem:s6], [sflag:s4] =	dma.local [hbm:s3], $0xF7A  }
0x26: {  	[smem:$0x3F9C] =	sst s1;
	(tag) =	ssettag s2;
	_ =	strace s9  }
0x27: {  	s1 =	sld [smem:$0x3FAC]  }
0x28: {  	s2 =	sld [smem:$0x3FAD]  }
0x29: {  	s4 =	sld [smem:$0x3FAF]  }
0x2a: {  	p0 =	seq.s32 s5, $0x0;
	s5 =	sld [smem:$0x3FB0]  }
0x2b: {  	s6 =	sld [smem:$0x3FB1]  }
0x2c: {  	s7 =	sld [smem:$0x3FB2]  }
0x2d: {  	s3 =	simm.s32 $0x108;
	s8 =	sld [smem:$0x3FB3]  }
0x2e: {  	s3 =	simm.s32 @!p0 $0x1082;
	s9 =	sld [smem:$0x3FB4]  }
0x2f: {  	lr =	sadd.s32 s0, s3;
	s0 =	sld [smem:$0x3FAB]  }
0x30: {  	s3 =	sld [smem:$0x3FAE]  }
0x31: {  	[smem:$0x3FB7] =	sst s10  }
0x32: {  	s10 =	sld [smem:$0x3FB5];
	_ =	sdelay $0x3  }
0x33: {  	p0 =	seq.s32 s10, $0x1;
	s10 =	sld [smem:$0x3FB7];
	_ =	sdelay $0x3  }
0x34: {  	[smem:$0x3FB7] =	sst s10  }
0x35: {  	s10 =	sld [smem:$0x3FB6];
	_ =	sdelay $0x3  }
0x36: {  	p1 =	seq.s32 s10, $0x1;
	s10 =	sld [smem:$0x3FB7];
	_ =	sdelay $0x3  }
0x37: {  	[smem:$0x3FB7] =	sst s10  }
0x38: {  	s10 =	sld [smem:$0x3FB8]  }
0x39: {  	_ = 	snop;
	(pc) =	sbr.ind lr, $3  }
0x3a: {  	_ = 	snop  }
0x3b: {  	_ = 	snop  }
0x3c: {  	p2 =	seq.s32 s10, $0x1;
	s10 =	sld [smem:$0x3FB7]  }
0x3d: {  	_ =	shalt  }
0x3e: {  	_ =	shalt  }
0x3f: {  	_ =	shalt  }
0x40: {  	_ =	shalt  }
0x41: {  	_ =	shalt  }
0x42: {  	_ =	shalt  }
0x43: {  	_ =	shalt  }
0x44: {  	_ =	shalt  }
0x45: {  	_ =	shalt  }
0x46: {  	_ =	shalt  }
0x47: {  	_ =	shalt  }
0x48: {  	_ =	shalt  }
0x49: {  	_ =	shalt  }
0x4a: {  	_ =	shalt  }
0x4b: {  	_ =	shalt  }
0x4c: {  	_ =	shalt  }
0x4d: {  	_ =	shalt  }
0x4e: {  	_ =	shalt  }
0x4f: {  	_ =	shalt  }
0x50: {  	_ =	shalt  }
0x51: {  	_ =	shalt  }
0x52: {  	_ =	shalt  }
0x53: {  	_ =	shalt  }
0x54: {  	_ =	shalt  }
0x55: {  	_ =	shalt  }
0x56: {  	_ =	shalt  }
0x57: {  	_ =	shalt  }
0x58: {  	_ =	shalt  }
0x59: {  	_ =	shalt  }
0x5a: {  	_ =	shalt  }
0x5b: {  	_ =	shalt  }
0x5c: {  	_ =	shalt  }
0x5d: {  	_ =	shalt  }
0x5e: {  	_ =	shalt  }
0x5f: {  	_ =	shalt  }
0x60: {  	_ =	shalt  }
0x61: {  	_ =	shalt  }
0x62: {  	_ =	shalt  }
0x63: {  	_ =	shalt  }
0x64: {  	_ =	shalt  }
0x65: {  	_ =	shalt  }
0x66: {  	_ =	shalt  }
0x67: {  	_ =	shalt  }
0x68: {  	_ =	shalt  }
0x69: {  	_ =	shalt  }
0x6a: {  	_ =	shalt  }
0x6b: {  	_ =	shalt  }
0x6c: {  	_ =	shalt  }
0x6d: {  	_ =	shalt  }
0x6e: {  	_ =	shalt  }
0x6f: {  	_ =	shalt  }
0x70: {  	_ =	shalt  }
0x71: {  	_ =	shalt  }
0x72: {  	_ =	shalt  }
0x73: {  	_ =	shalt  }
0x74: {  	_ =	shalt  }
0x75: {  	_ =	shalt  }
0x76: {  	_ =	shalt  }
0x77: {  	_ =	shalt  }
0x78: {  	_ =	shalt  }
0x79: {  	_ =	shalt  }
0x7a: {  	_ =	shalt  }
0x7b: {  	_ =	shalt  }
0x7c: {  	_ =	shalt  }
0x7d: {  	_ =	shalt  }
0x7e: {  	_ =	shalt  }
0x7f: {  	_ =	shalt  }
0x80: {  	_ =	shalt  }
0x81: {  	_ =	shalt  }
0x82: {  	_ =	shalt  }
0x83: {  	_ =	shalt  }
0x84: {  	_ =	shalt  }
0x85: {  	_ =	shalt  }
0x86: {  	_ =	shalt  }
0x87: {  	_ =	shalt  }
.Lfunc_end0:
.L_simem_size_0:
called_computation.1_lowered:
.L_overlay_start_0:
0x88: {  	s2 =	sld [smem:$0x3FD9]  }
0x89: {  	s3 =	sld [smem:$0x3FFE];
	_ =	sdelay $0x1  }
0x8a: {  	s1 =	srdreg.scid  }
0x8b: {  	s0 =	sand.u32 $0x1, s1  }
0x8c: {  	s17 =	sshll.u32 s0, $0xA;
	s2 =	sadd.s32 s3, s2  }
0x8d: {  	s2 =	sadd.s32 s2, s17  }
0x8e: {  	[smem:$0x3FC3] =	sst s2  }
0x8f: {  	_ = 	snop  }
0x90: {  	s2 =	sld [smem:$0x3FD0];
	(tm) =	ssettm $0x1  }
0x91: {  	s18 =	sld [smem:$0x3FFB];
	_ =	sdelay $0x3  }
0x92: {  	_ =	strace s18  }
0x93: {  	s3 =	sld [smem:$0x3FFC];
	_ =	sdelay $0x3  }
0x94: {  	_ =	strace s3  }
0x95: {  	s3 =	sld [smem:$0x3FFD];
	_ =	sdelay $0x3  }
0x96: {  	_ =	strace s3  }
0x97: {  	_ =	strace $0x8FFFFFFF  }
0x98: {  	s19 =	sld [smem:$0x3FDB];
	_ =	sdelay $0x1  }
0x99: {  	s4 =	simm.s32 $_scs_section_size  }
0x9a: {  	s5 =	simm.s32 $_size__tile_overlayer_lowered;
	s6 =	simm.s32 $_tile_overlayer_lowered  }
0x9b: {  	s22 =	simm.s32 $0x1BFF;
	s21 =	sshll.u32 s6, $0x1;
	s3 =	sadd.s32 s4, s19  }
0x9c: {  	s7 =	simm.s32 $0x0;
	s20 =	sshll.u32 s5, $0x1;
	s5 =	sadd.s32 s21, s3  }
0x9d: {  	[timem:s7], [sflag:s22] =	dma.local [hbm:s5], s20  }
0x9e: {  	_ =	swait.ge [sflag:s22], s20  }
0x9f: {  	s4 =	ssub.s32 $0x0, s20;
	[sflag:s22] =	ssyncset.done $0x0  }
0xa0: {  	[sflag:s22] =	ssyncadd.s32 s4;
	_ =	sdelay $0x1  }
0xa1: {  	s23 =	simm.s32 $0x1B8B  }
0xa2: {  	_ =	swait.ge [sflag:s23], $0x1  }
0xa3: {  	[sflag:s23] =	ssyncset.done $0x0  }
0xa4: {  	s25 =	simm.s32 $0x1B8E;
	s24 =	sld [smem:$0x3FFE];
	[sflag:s23] =	ssyncadd.s32 $0xFFFFFFFF  }
0xa5: {  	s26 =	simm.s32 $execute0_lowered;
	[smem:$0x3FD2] =	sst s25  }
0xa6: {  	s5 =	sshll.u32 s26, $0x1;
	_ =	strace $0x80000049;
	[dreg:$0x1] =	wrdreg $0xFFFFFFFF  }
0xa7: {  	s28 =	simm.s32 $_size_execute0_lowered;
	s3 =	sadd.s32 s3, s5;
	[dreg:$0x0] =	wrdreg $0x0  }
0xa8: {  	s5 =	sshll.u32 s28, $0x1;
	[dreg:$0x2] =	wrdreg s3  }
0xa9: {  	[dreg:$0x3] =	wrdreg s5  }
0xaa: {  	[dreg:$0x4] =	wrdreg $0xC0  }
0xab: {  	_ =	task [dreg:s7], $0x5FFFF  }
0xac: {  	[dreg:$0x1] =	wrdreg $0xFFFFFFFF  }
0xad: {  	[dreg:$0x0] =	wrdreg $0x60  }
0xae: {  	[dreg:$0x2] =	wrdreg s2  }
0xaf: {  	[dreg:$0x3] =	wrdreg s24  }
0xb0: {  	[dreg:$0x4] =	wrdreg $0xA8000  }
0xb1: {  	[dreg:$0x5] =	wrdreg $0x9  }
0xb2: {  	_ =	task.clear_ibuf [dreg:s7], $0x6FFFF;
	_ =	strace $0x90000049  }
0xb3: {  	s29 =	simm.s32 $0x9;
	_ =	strace $0x8000004B  }
0xb4: {  	_ =	swait.ge [sflag:s29], $0x1  }
0xb5: {  	[sflag:s29] =	ssyncadd.s32 $0xFFFFFFFF  }
0xb6: {  	_ =	strace $0x9000004B  }
0xb7: {  	_ =	sfence  }
0xb8: {  	s30 =	sld [smem:$0x0];
	_ =	sdelay $0x2  }
0xb9: {  	s31 =	sshll.u32 s1, $0xD;
	s1 =	sshrl.u32 s1, $0x2  }
0xba: {  	s3 =	sand.u32 $0x4000, s31;
	s1 =	sadd.s32 s1, s30  }
0xbb: {  	s0 =	sor.u32 s3, s0;
	s1 =	sshll.u32 s1, $0x11  }
0xbc: {  	s0 =	sor.u32 s1, s0  }
0xbd: {  	s0 =	sadd.s32 $0x8F2B, s0  }
0xbe: {  	[sflag:s0] =	ssyncadd.remote.s32 $0x1  }
0xbf: {  	_ =	sfence.sel $0xFFFF  }
0xc0: {  	[dreg:$0x0] =	wrdreg $0xFFFFFFFF;
	(pc) =	sbr.abs _section_cstart, $3  }
0xc1: {  	[dreg:$0x1] =	wrdreg $0xFFFFFFFF  }
0xc2: {  	_ =	task.clear_ibuf [dreg:s7], $0x2FFFF;
	_ =	strace $0x9FFFFFFF  }
0xc3: {  	(tm) =	ssettm $0x7FFFFFFF  }
tec
execute0_lowered:
.L_overlay_start_1:
0x0: {  	(tag) =	ssettag $0x1  }
0x1: {  	s2 =	rddreg [dreg:$0x0]  }
0x2: {  	s0 =	srdreg.scid;
	s12 =	rddreg [dreg:$0x1]  }
0x3: {  	s8 =	stileid.u32;
	s3 =	rddreg [dreg:$0x2]  }
0x4: {  	s4 =	simm.s32 $0x0;
	s16 =	simm.s32 $0x3;
	s17 =	simm.s32 $0x1400  }
0x5: {  	s18 =	simm.s32 $0x80;
	s19 =	simm.s32 $0x2800;
	s20 =	simm.s32 $0x6800  }
0x6: {  	s21 =	simm.s32 $0x1;
	s28 =	simm.s32 $0x980;
	s29 =	simm.s32 $0x1D00  }
0x7: {  	s30 =	simm.s32 $0x2780;
	s31 =	simm.s32 $0x0;
	s0 =	sand.u32 $0x1, s0  }
0x8: {  	s1 =	sshll.u32 s8, $0x1;
	s7 =	smul.u32 $0x14000, s8;
	[smem:$0x7FF] =	sst s4  }
0x9: {  	s23 =	smul.u32 $0x50000, s8;
	s26 =	sshll.u32 s8, $0x6;
	s11 =	sadd.s32 $0xBB00, s12  }
0xa: {  	s1 =	sor.u32 s0, s1;
	s6 =	smul.u32 $0x140000, s0;
	s0 =	ssub.s32 $0x2, s0  }
0xb: {  	_ =	strace $0x8000004A;
	s5 =	smul.u32 $0x2800, s1;
	s24 =	sshrl.u32 s0, $0x1  }
0xc: {  	s25 =	sshrl.u32 s23, $0x2;
	p0 =	seq.s32 s1, $0x1F;
	s22 =	sadd.s32 s7, s6  }
0xd: {  	s0 =	ssub.s32 s0, s24;
	s15 =	sadd.s32 s25, s3;
	s24 =	simm.s32 $0x1C00  }
0xe: {  	s25 =	simm.s32 $0x900;
	s5 =	sshrl.u32 s5, $0x3;
	s6 =	sshrl.u32 s22, $0x3  }
.Ltmp0:
0xf: {  	s14 =	smax.u32 s0, $0x1;
	s15 =	sshrl.u32 s15, $0x3;
	(pc) =	sbr.rel .LBB2_1-.Ltmp0, $4  }
0x10: {  	s22 =	simm.s32 $0x2;
	s10 =	sadd.s32 s5, s12;
	s5 =	sadd.s32 $0x15A00, s12  }
0x11: {  	s13 =	sadd.s32 s6, s12;
	s6 =	sor.u32 $0x1C03, s26;
	s12 =	sadd.s32 $0x15780, s12  }
0x12: {  	s26 =	simm.s32 $0x1C80;
	s7 =	sadd.s32 $0x2000, s10;
	s8 =	sadd.s32 $0xBC80, s10  }
0x13: {  	s9 =	sadd.s32 $0x2280, s10;
	s10 =	sadd.s32 $0xBF00, s10;
	s13 =	sadd.s32 $0x18200, s13  }
.LBB2_7:
0x14: {  	[tilespmem:s4], [sflag:$0x3] =	stream.linear.gather [hbm4b:s11+s4], $0xA00, $0x38;
	[tilespmem:$0x1E800] =	vst v63  }
0x15: {  	_ =	swait.ge [sflag:s16], $0xA00  }
0x16: {  	[sflag:s16] =	ssyncset.done $0x0  }
0x17: {  	[sflag:s16] =	ssyncadd.s32 $0xFFFFF600  }
0x18: {  	[tilespmem:s17], [sflag:$0x3] =	stream.linear.gather [hbm4b:s12+s4], $0xA00, $0x38;
	[tilespmem:$0x1E800] =	vst v63  }
0x19: {  	_ =	swait.ge [sflag:s16], $0xA00  }
0x1a: {  	[sflag:s16] =	ssyncset.done $0x0  }
0x1b: {  	[sflag:s16] =	ssyncadd.s32 $0xFFFFF600  }
0x1c: {  	[tilespmem:s19], [sflag:$0x1] =	stream.indirect.gather [hbm4b:s2+s18], $0x80, s4, s18, $0xb8;
	[tilespmem:$0x1E800] =	vst v63  }
0x1d: {  	_ = 	snop  }
0x1e: {  	[tilespmem:s20], [sflag:$0x1] =	stream.indirect.gather [hbm4b:s2+s18], $0x80, s18, s18, $0xb8;
	[tilespmem:$0x1E800] =	vst v63  }
0x1f: {  	_ =	swait.ge [sflag:s21], $0x4000  }
0x20: {  	[sflag:s21] =	ssyncset.done $0x0  }
0x21: {  	[sflag:s21] =	ssyncadd.s32 $0xFFFFC000  }
0x22: {  	[spmem:s3] =	stream.indirect.scatter.add.f32 [tilespmem:s19], [sflag:$0x2], $0x80, s17, s18, $0xb8;
	[tilespmem:$0x1E800] =	vst v63  }
0x23: {  	_ =	swait.ge [sflag:s22], $0x4000  }
0x24: {  	[sflag:s22] =	ssyncset.done $0x0  }
0x25: {  	s0 =	simm.s32 $0x100;
	[sflag:s22] =	ssyncadd.s32 $0xFFFFC000  }
0x26: {  	[tilespmem:s19], [sflag:$0x1] =	stream.indirect.gather [hbm4b:s2+s18], $0x80, s0, s18, $0xb8;
	[tilespmem:$0x1E800] =	vst v63  }
0x27: {  	_ =	swait.ge [sflag:s21], $0x4000  }
0x28: {  	[sflag:s21] =	ssyncset.done $0x0  }
0x29: {  	s1 =	simm.s32 $0x1480;
	[sflag:s21] =	ssyncadd.s32 $0xFFFFC000  }
0x2a: {  	[spmem:s3] =	stream.indirect.scatter.add.f32 [tilespmem:s20], [sflag:$0x2], $0x80, s1, s18, $0xb8;
	[tilespmem:$0x1E800] =	vst v63  }
0x2b: {  	_ =	swait.ge [sflag:s22], $0x4000  }
0x2c: {  	[sflag:s22] =	ssyncset.done $0x0  }
0x2d: {  	s23 =	simm.s32 $0x180;
	[sflag:s22] =	ssyncadd.s32 $0xFFFFC000  }
0x2e: {  	[tilespmem:s20], [sflag:$0x1] =	stream.indirect.gather [hbm4b:s2+s18], $0x80, s23, s18, $0xb8;
	[tilespmem:$0x1E800] =	vst v63  }
0x2f: {  	_ =	swait.ge [sflag:s21], $0x4000  }
0x30: {  	[sflag:s21] =	ssyncset.done $0x0  }
0x31: {  	s1 =	simm.s32 $0x1500;
	[sflag:s21] =	ssyncadd.s32 $0xFFFFC000  }
0x32: {  	[spmem:s3] =	stream.indirect.scatter.add.f32 [tilespmem:s19], [sflag:$0x2], $0x80, s1, s18, $0xb8;
	[tilespmem:$0x1E800] =	vst v63  }
0x33: {  	_ =	swait.ge [sflag:s22], $0x4000  }
0x34: {  	[sflag:s22] =	ssyncset.done $0x0  }
0x35: {  	s23 =	simm.s32 $0x200;
	[sflag:s22] =	ssyncadd.s32 $0xFFFFC000  }
0x36: {  	[tilespmem:s19], [sflag:$0x1] =	stream.indirect.gather [hbm4b:s2+s18], $0x80, s23, s18, $0xb8;
	[tilespmem:$0x1E800] =	vst v63  }
0x37: {  	_ =	swait.ge [sflag:s21], $0x4000  }
0x38: {  	[sflag:s21] =	ssyncset.done $0x0  }
0x39: {  	s1 =	simm.s32 $0x1580;
	[sflag:s21] =	ssyncadd.s32 $0xFFFFC000  }
0x3a: {  	[spmem:s3] =	stream.indirect.scatter.add.f32 [tilespmem:s20], [sflag:$0x2], $0x80, s1, s18, $0xb8;
	[tilespmem:$0x1E800] =	vst v63  }
0x3b: {  	_ =	swait.ge [sflag:s22], $0x4000  }
0x3c: {  	[sflag:s22] =	ssyncset.done $0x0  }
0x3d: {  	s23 =	simm.s32 $0x280;
	[sflag:s22] =	ssyncadd.s32 $0xFFFFC000  }
0x3e: {  	[tilespmem:s20], [sflag:$0x1] =	stream.indirect.gather [hbm4b:s2+s18], $0x80, s23, s18, $0xb8;
	[tilespmem:$0x1E800] =	vst v63  }
0x3f: {  	_ =	swait.ge [sflag:s21], $0x4000  }
0x40: {  	[sflag:s21] =	ssyncset.done $0x0  }
0x41: {  	s1 =	simm.s32 $0x1600;
	[sflag:s21] =	ssyncadd.s32 $0xFFFFC000  }
0x42: {  	[spmem:s3] =	stream.indirect.scatter.add.f32 [tilespmem:s19], [sflag:$0x2], $0x80, s1, s18, $0xb8;
	[tilespmem:$0x1E800] =	vst v63  }
0x43: {  	_ =	swait.ge [sflag:s22], $0x4000  }
0x44: {  	[sflag:s22] =	ssyncset.done $0x0  }
0x45: {  	s23 =	simm.s32 $0x300;
	[sflag:s22] =	ssyncadd.s32 $0xFFFFC000  }
0x46: {  	[tilespmem:s19], [sflag:$0x1] =	stream.indirect.gather [hbm4b:s2+s18], $0x80, s23, s18, $0xb8;
	[tilespmem:$0x1E800] =	vst v63  }
0x47: {  	_ =	swait.ge [sflag:s21], $0x4000  }
0x48: {  	[sflag:s21] =	ssyncset.done $0x0  }
0x49: {  	s1 =	simm.s32 $0x1680;
	[sflag:s21] =	ssyncadd.s32 $0xFFFFC000  }
0x4a: {  	[spmem:s3] =	stream.indirect.scatter.add.f32 [tilespmem:s20], [sflag:$0x2], $0x80, s1, s18, $0xb8;
	[tilespmem:$0x1E800] =	vst v63  }
0x4b: {  	_ =	swait.ge [sflag:s22], $0x4000  }
0x4c: {  	[sflag:s22] =	ssyncset.done $0x0  }
0x4d: {  	s23 =	simm.s32 $0x380;
	[sflag:s22] =	ssyncadd.s32 $0xFFFFC000  }
0x4e: {  	[tilespmem:s20], [sflag:$0x1] =	stream.indirect.gather [hbm4b:s2+s18], $0x80, s23, s18, $0xb8;
	[tilespmem:$0x1E800] =	vst v63  }
0x4f: {  	_ =	swait.ge [sflag:s21], $0x4000  }
0x50: {  	[sflag:s21] =	ssyncset.done $0x0  }
0x51: {  	s1 =	simm.s32 $0x1700;
	[sflag:s21] =	ssyncadd.s32 $0xFFFFC000  }
0x52: {  	[spmem:s3] =	stream.indirect.scatter.add.f32 [tilespmem:s19], [sflag:$0x2], $0x80, s1, s18, $0xb8;
	[tilespmem:$0x1E800] =	vst v63  }
0x53: {  	_ =	swait.ge [sflag:s22], $0x4000  }
0x54: {  	[sflag:s22] =	ssyncset.done $0x0  }
0x55: {  	s23 =	simm.s32 $0x400;
	[sflag:s22] =	ssyncadd.s32 $0xFFFFC000  }
0x56: {  	[tilespmem:s19], [sflag:$0x1] =	stream.indirect.gather [hbm4b:s2+s18], $0x80, s23, s18, $0xb8;
	[tilespmem:$0x1E800] =	vst v63  }
0x57: {  	_ =	swait.ge [sflag:s21], $0x4000  }
0x58: {  	[sflag:s21] =	ssyncset.done $0x0  }
0x59: {  	s1 =	simm.s32 $0x1780;
	[sflag:s21] =	ssyncadd.s32 $0xFFFFC000  }
0x5a: {  	[spmem:s3] =	stream.indirect.scatter.add.f32 [tilespmem:s20], [sflag:$0x2], $0x80, s1, s18, $0xb8;
	[tilespmem:$0x1E800] =	vst v63  }
0x5b: {  	_ =	swait.ge [sflag:s22], $0x4000  }
0x5c: {  	[sflag:s22] =	ssyncset.done $0x0  }
0x5d: {  	s23 =	simm.s32 $0x480;
	[sflag:s22] =	ssyncadd.s32 $0xFFFFC000  }
0x5e: {  	[tilespmem:s20], [sflag:$0x1] =	stream.indirect.gather [hbm4b:s2+s18], $0x80, s23, s18, $0xb8;
	[tilespmem:$0x1E800] =	vst v63  }
0x5f: {  	_ =	swait.ge [sflag:s21], $0x4000  }
0x60: {  	[sflag:s21] =	ssyncset.done $0x0  }
0x61: {  	s1 =	simm.s32 $0x1800;
	[sflag:s21] =	ssyncadd.s32 $0xFFFFC000  }
0x62: {  	[spmem:s3] =	stream.indirect.scatter.add.f32 [tilespmem:s19], [sflag:$0x2], $0x80, s1, s18, $0xb8;
	[tilespmem:$0x1E800] =	vst v63  }
0x63: {  	_ =	swait.ge [sflag:s22], $0x4000  }
0x64: {  	[sflag:s22] =	ssyncset.done $0x0  }
0x65: {  	s23 =	simm.s32 $0x500;
	[sflag:s22] =	ssyncadd.s32 $0xFFFFC000  }
0x66: {  	[tilespmem:s19], [sflag:$0x1] =	stream.indirect.gather [hbm4b:s2+s18], $0x80, s23, s18, $0xb8;
	[tilespmem:$0x1E800] =	vst v63  }
0x67: {  	_ =	swait.ge [sflag:s21], $0x4000  }
0x68: {  	[sflag:s21] =	ssyncset.done $0x0  }
0x69: {  	s1 =	simm.s32 $0x1880;
	[sflag:s21] =	ssyncadd.s32 $0xFFFFC000  }
0x6a: {  	[spmem:s3] =	stream.indirect.scatter.add.f32 [tilespmem:s20], [sflag:$0x2], $0x80, s1, s18, $0xb8;
	[tilespmem:$0x1E800] =	vst v63  }
0x6b: {  	_ =	swait.ge [sflag:s22], $0x4000  }
0x6c: {  	[sflag:s22] =	ssyncset.done $0x0  }
0x6d: {  	s23 =	simm.s32 $0x580;
	[sflag:s22] =	ssyncadd.s32 $0xFFFFC000  }
0x6e: {  	[tilespmem:s20], [sflag:$0x1] =	stream.indirect.gather [hbm4b:s2+s18], $0x80, s23, s18, $0xb8;
	[tilespmem:$0x1E800] =	vst v63  }
0x6f: {  	_ =	swait.ge [sflag:s21], $0x4000  }
0x70: {  	[sflag:s21] =	ssyncset.done $0x0  }
0x71: {  	s1 =	simm.s32 $0x1900;
	[sflag:s21] =	ssyncadd.s32 $0xFFFFC000  }
0x72: {  	[spmem:s3] =	stream.indirect.scatter.add.f32 [tilespmem:s19], [sflag:$0x2], $0x80, s1, s18, $0xb8;
	[tilespmem:$0x1E800] =	vst v63  }
0x73: {  	_ =	swait.ge [sflag:s22], $0x4000  }
0x74: {  	[sflag:s22] =	ssyncset.done $0x0  }
0x75: {  	s23 =	simm.s32 $0x600;
	[sflag:s22] =	ssyncadd.s32 $0xFFFFC000  }
0x76: {  	[tilespmem:s19], [sflag:$0x1] =	stream.indirect.gather [hbm4b:s2+s18], $0x80, s23, s18, $0xb8;
	[tilespmem:$0x1E800] =	vst v63  }
0x77: {  	_ =	swait.ge [sflag:s21], $0x4000  }
0x78: {  	[sflag:s21] =	ssyncset.done $0x0  }
0x79: {  	s1 =	simm.s32 $0x1980;
	[sflag:s21] =	ssyncadd.s32 $0xFFFFC000  }
0x7a: {  	[spmem:s3] =	stream.indirect.scatter.add.f32 [tilespmem:s20], [sflag:$0x2], $0x80, s1, s18, $0xb8;
	[tilespmem:$0x1E800] =	vst v63  }
0x7b: {  	_ =	swait.ge [sflag:s22], $0x4000  }
0x7c: {  	[sflag:s22] =	ssyncset.done $0x0  }
0x7d: {  	s23 =	simm.s32 $0x680;
	[sflag:s22] =	ssyncadd.s32 $0xFFFFC000  }
0x7e: {  	[tilespmem:s20], [sflag:$0x1] =	stream.indirect.gather [hbm4b:s2+s18], $0x80, s23, s18, $0xb8;
	[tilespmem:$0x1E800] =	vst v63  }
0x7f: {  	_ =	swait.ge [sflag:s21], $0x4000  }
0x80: {  	[sflag:s21] =	ssyncset.done $0x0  }
0x81: {  	s1 =	simm.s32 $0x1A00;
	[sflag:s21] =	ssyncadd.s32 $0xFFFFC000  }
0x82: {  	[spmem:s3] =	stream.indirect.scatter.add.f32 [tilespmem:s19], [sflag:$0x2], $0x80, s1, s18, $0xb8;
	[tilespmem:$0x1E800] =	vst v63  }
0x83: {  	_ =	swait.ge [sflag:s22], $0x4000  }
0x84: {  	[sflag:s22] =	ssyncset.done $0x0  }
0x85: {  	s23 =	simm.s32 $0x700;
	[sflag:s22] =	ssyncadd.s32 $0xFFFFC000  }
0x86: {  	[tilespmem:s19], [sflag:$0x1] =	stream.indirect.gather [hbm4b:s2+s18], $0x80, s23, s18, $0xb8;
	[tilespmem:$0x1E800] =	vst v63  }
0x87: {  	_ =	swait.ge [sflag:s21], $0x4000  }
0x88: {  	[sflag:s21] =	ssyncset.done $0x0  }
0x89: {  	s1 =	simm.s32 $0x1A80;
	[sflag:s21] =	ssyncadd.s32 $0xFFFFC000  }
0x8a: {  	[spmem:s3] =	stream.indirect.scatter.add.f32 [tilespmem:s20], [sflag:$0x2], $0x80, s1, s18, $0xb8;
	[tilespmem:$0x1E800] =	vst v63  }
0x8b: {  	_ =	swait.ge [sflag:s22], $0x4000  }
0x8c: {  	[sflag:s22] =	ssyncset.done $0x0  }
0x8d: {  	s23 =	simm.s32 $0x780;
	[sflag:s22] =	ssyncadd.s32 $0xFFFFC000  }
0x8e: {  	[tilespmem:s20], [sflag:$0x1] =	stream.indirect.gather [hbm4b:s2+s18], $0x80, s23, s18, $0xb8;
	[tilespmem:$0x1E800] =	vst v63  }
0x8f: {  	_ =	swait.ge [sflag:s21], $0x4000  }
0x90: {  	[sflag:s21] =	ssyncset.done $0x0  }
0x91: {  	s1 =	simm.s32 $0x1B00;
	[sflag:s21] =	ssyncadd.s32 $0xFFFFC000  }
0x92: {  	[spmem:s3] =	stream.indirect.scatter.add.f32 [tilespmem:s19], [sflag:$0x2], $0x80, s1, s18, $0xb8;
	[tilespmem:$0x1E800] =	vst v63  }
0x93: {  	_ =	swait.ge [sflag:s22], $0x4000  }
0x94: {  	[sflag:s22] =	ssyncset.done $0x0  }
0x95: {  	s23 =	simm.s32 $0x800;
	[sflag:s22] =	ssyncadd.s32 $0xFFFFC000  }
0x96: {  	[tilespmem:s19], [sflag:$0x1] =	stream.indirect.gather [hbm4b:s2+s18], $0x80, s23, s18, $0xb8;
	[tilespmem:$0x1E800] =	vst v63  }
0x97: {  	_ =	swait.ge [sflag:s21], $0x4000  }
0x98: {  	[sflag:s21] =	ssyncset.done $0x0  }
0x99: {  	s1 =	simm.s32 $0x1B80;
	[sflag:s21] =	ssyncadd.s32 $0xFFFFC000  }
0x9a: {  	[spmem:s3] =	stream.indirect.scatter.add.f32 [tilespmem:s20], [sflag:$0x2], $0x80, s1, s18, $0xb8;
	[tilespmem:$0x1E800] =	vst v63  }
0x9b: {  	_ =	swait.ge [sflag:s22], $0x4000  }
0x9c: {  	[sflag:s22] =	ssyncset.done $0x0  }
0x9d: {  	s23 =	simm.s32 $0x880;
	[sflag:s22] =	ssyncadd.s32 $0xFFFFC000  }
0x9e: {  	[tilespmem:s20], [sflag:$0x1] =	stream.indirect.gather [hbm4b:s2+s18], $0x80, s23, s18, $0xb8;
	[tilespmem:$0x1E800] =	vst v63  }
0x9f: {  	_ =	swait.ge [sflag:s21], $0x4000  }
0xa0: {  	[sflag:s21] =	ssyncset.done $0x0  }
0xa1: {  	[sflag:s21] =	ssyncadd.s32 $0xFFFFC000  }
0xa2: {  	[spmem:s3] =	stream.indirect.scatter.add.f32 [tilespmem:s19], [sflag:$0x2], $0x80, s24, s18, $0xb8;
	[tilespmem:$0x1E800] =	vst v63  }
0xa3: {  	_ =	swait.ge [sflag:s22], $0x4000  }
0xa4: {  	[sflag:s22] =	ssyncset.done $0x0  }
0xa5: {  	[sflag:s22] =	ssyncadd.s32 $0xFFFFC000  }
0xa6: {  	[tilespmem:s19], [sflag:$0x1] =	stream.indirect.gather [hbm4b:s2+s18], $0x80, s25, s18, $0xb8;
	[tilespmem:$0x1E800] =	vst v63  }
0xa7: {  	_ =	swait.ge [sflag:s21], $0x4000  }
0xa8: {  	[sflag:s21] =	ssyncset.done $0x0  }
0xa9: {  	[sflag:s21] =	ssyncadd.s32 $0xFFFFC000  }
0xaa: {  	[spmem:s3] =	stream.indirect.scatter.add.f32 [tilespmem:s20], [sflag:$0x2], $0x80, s26, s18, $0xb8;
	[tilespmem:$0x1E800] =	vst v63  }
0xab: {  	_ =	swait.ge [sflag:s22], $0x4000  }
0xac: {  	[sflag:s22] =	ssyncset.done $0x0  }
0xad: {  	[sflag:s22] =	ssyncadd.s32 $0xFFFFC000  }
0xae: {  	[tilespmem:s20], [sflag:$0x1] =	stream.indirect.gather [hbm4b:s2+s18], $0x80, s28, s18, $0xb8;
	[tilespmem:$0x1E800] =	vst v63  }
0xaf: {  	_ =	swait.ge [sflag:s21], $0x4000  }
0xb0: {  	[sflag:s21] =	ssyncset.done $0x0  }
0xb1: {  	s0 =	simm.s32 $0x1D80;
	[sflag:s21] =	ssyncadd.s32 $0xFFFFC000  }
0xb2: {  	[spmem:s3] =	stream.indirect.scatter.add.f32 [tilespmem:s19], [sflag:$0x2], $0x80, s29, s18, $0xb8;
	[tilespmem:$0x1E800] =	vst v63  }
.LBB2_8:
0xb3: {  	_ =	swait.ge [sflag:s21], $0x4000  }
0xb4: {  	[sflag:s21] =	ssyncset.done $0x0  }
0xb5: {  	[sflag:s21] =	ssyncadd.s32 $0xFFFFC000  }
0xb6: {  	[spmem:s3] =	stream.indirect.scatter.add.f32 [tilespmem:s20], [sflag:$0x2], $0x80, s0, s18, $0xb8;
	[tilespmem:$0x1E800] =	vst v63  }
0xb7: {  	_ =	swait.ge [sflag:s22], $0x4000  }
0xb8: {  	[sflag:s22] =	ssyncset.done $0x0  }
0xb9: {  	[sflag:s22] =	ssyncadd.s32 $0xFFFFC000  }
0xba: {  	_ =	swait.ge [sflag:s22], $0x4000  }
0xbb: {  	s31 =	sadd.s32 $0x1, s31;
	[sflag:s22] =	ssyncset.done $0x0  }
0xbc: {  	p1 =	sne.s32 s31, s14;
	[sflag:s22] =	ssyncadd.s32 $0xFFFFC000  }
.Ltmp1:
0xbd: {  	[bflag:$0x0] =	sbarrier.arrive $0xFFFF;
	(pc) =	sbr.rel @!p1 .LBB2_9-.Ltmp1, $4  }
0xbe: {  	[hbm:s13], [sflag:s6] =	dma.local [spmem:s15], $0x2800  }
0xbf: {  	_ =	swait.ge [sflag:s16], $0x2800  }
0xc0: {  	[sflag:s16] =	ssyncset.done $0x0  }
0xc1: {  	[sflag:s16] =	ssyncadd.s32 $0xFFFFD800  }
.LBB2_1:
0xc2: {  	[spmem:s15], [sflag:s6] =	dma.local [hbm:s5], $0x2800  }
.Ltmp2:
0xc3: {  	_ =	swait.ge [sflag:s16], $0x2800;
	(pc) =	sbr.rel @p0 .LBB2_7-.Ltmp2, $3  }
0xc4: {  	[sflag:s16] =	ssyncset.done $0x0  }
0xc5: {  	[sflag:s16] =	ssyncadd.s32 $0xFFFFD800  }
0xc6: {  	[bflag:$0x0] =	sbarrier.arrive $0xFFFF;
	_ =	sdelay $0x1  }
0xc7: {  	[tilespmem:s4], [sflag:$0x3] =	stream.linear.gather [hbm4b:s7+s4], $0x1400, $0x38;
	[tilespmem:$0x1E800] =	vst v63  }
0xc8: {  	_ =	swait.ge [sflag:s16], $0x1400  }
0xc9: {  	[sflag:s16] =	ssyncset.done $0x0  }
0xca: {  	[sflag:s16] =	ssyncadd.s32 $0xFFFFEC00  }
0xcb: {  	[tilespmem:s17], [sflag:$0x3] =	stream.linear.gather [hbm4b:s8+s4], $0x1400, $0x38;
	[tilespmem:$0x1E800] =	vst v63  }
0xcc: {  	_ =	swait.ge [sflag:s16], $0x1400  }
0xcd: {  	[sflag:s16] =	ssyncset.done $0x0  }
0xce: {  	[sflag:s16] =	ssyncadd.s32 $0xFFFFEC00  }
0xcf: {  	[tilespmem:s19], [sflag:$0x1] =	stream.indirect.gather [hbm4b:s2+s18], $0x80, s4, s18, $0xb8;
	[tilespmem:$0x1E800] =	vst v63  }
0xd0: {  	_ = 	snop  }
0xd1: {  	[tilespmem:s20], [sflag:$0x1] =	stream.indirect.gather [hbm4b:s2+s18], $0x80, s18, s18, $0xb8;
	[tilespmem:$0x1E800] =	vst v63  }
0xd2: {  	_ =	swait.ge [sflag:s21], $0x4000  }
0xd3: {  	[sflag:s21] =	ssyncset.done $0x0  }
0xd4: {  	[sflag:s21] =	ssyncadd.s32 $0xFFFFC000  }
0xd5: {  	[spmem:s3] =	stream.indirect.scatter.add.f32 [tilespmem:s19], [sflag:$0x2], $0x80, s17, s18, $0xb8;
	[tilespmem:$0x1E800] =	vst v63  }
0xd6: {  	_ =	swait.ge [sflag:s22], $0x4000  }
0xd7: {  	[sflag:s22] =	ssyncset.done $0x0  }
0xd8: {  	s0 =	simm.s32 $0x100;
	[sflag:s22] =	ssyncadd.s32 $0xFFFFC000  }
0xd9: {  	[tilespmem:s19], [sflag:$0x1] =	stream.indirect.gather [hbm4b:s2+s18], $0x80, s0, s18, $0xb8;
	[tilespmem:$0x1E800] =	vst v63  }
0xda: {  	_ =	swait.ge [sflag:s21], $0x4000  }
0xdb: {  	[sflag:s21] =	ssyncset.done $0x0  }
0xdc: {  	s1 =	simm.s32 $0x1480;
	[sflag:s21] =	ssyncadd.s32 $0xFFFFC000  }
0xdd: {  	[spmem:s3] =	stream.indirect.scatter.add.f32 [tilespmem:s20], [sflag:$0x2], $0x80, s1, s18, $0xb8;
	[tilespmem:$0x1E800] =	vst v63  }
0xde: {  	_ =	swait.ge [sflag:s22], $0x4000  }
0xdf: {  	[sflag:s22] =	ssyncset.done $0x0  }
0xe0: {  	s23 =	simm.s32 $0x180;
	[sflag:s22] =	ssyncadd.s32 $0xFFFFC000  }
0xe1: {  	[tilespmem:s20], [sflag:$0x1] =	stream.indirect.gather [hbm4b:s2+s18], $0x80, s23, s18, $0xb8;
	[tilespmem:$0x1E800] =	vst v63  }
0xe2: {  	_ =	swait.ge [sflag:s21], $0x4000  }
0xe3: {  	[sflag:s21] =	ssyncset.done $0x0  }
0xe4: {  	s0 =	simm.s32 $0x1500;
	s1 =	simm.s32 $0xFFFFB800;
	[sflag:s21] =	ssyncadd.s32 $0xFFFFC000  }
.LBB2_3:
0xe5: {  	[spmem:s3] =	stream.indirect.scatter.add.f32 [tilespmem:s19], [sflag:$0x2], $0x80, s0, s18, $0xb8;
	[tilespmem:$0x1E800] =	vst v63  }
0xe6: {  	s0 =	smov.u32 s1  }
0xe7: {  	p1 =	sne.s32 s1, $0xFFFFFC00;
	s1 =	sadd.s32 $0x400, s1;
	_ =	swait.ge [sflag:s22], $0x4000  }
0xe8: {  	s0 =	sshra.s32 s0, $0x2;
	[sflag:s22] =	ssyncset.done $0x0  }
0xe9: {  	s23 =	sadd.s32 $0x1400, s0;
	[sflag:s22] =	ssyncadd.s32 $0xFFFFC000  }
0xea: {  	[tilespmem:s19], [sflag:$0x1] =	stream.indirect.gather [hbm4b:s2+s18], $0x80, s23, s18, $0xb8;
	[tilespmem:$0x1E800] =	vst v63  }
0xeb: {  	_ =	swait.ge [sflag:s21], $0x4000  }
0xec: {  	[sflag:s21] =	ssyncset.done $0x0  }
0xed: {  	s23 =	sadd.s32 $0x2780, s0;
	[sflag:s21] =	ssyncadd.s32 $0xFFFFC000  }
0xee: {  	[spmem:s3] =	stream.indirect.scatter.add.f32 [tilespmem:s20], [sflag:$0x2], $0x80, s23, s18, $0xb8;
	[tilespmem:$0x1E800] =	vst v63  }
0xef: {  	_ =	swait.ge [sflag:s22], $0x4000  }
0xf0: {  	[sflag:s22] =	ssyncset.done $0x0  }
.Ltmp3:
0xf1: {  	s23 =	sadd.s32 $0x1480, s0;
	[sflag:s22] =	ssyncadd.s32 $0xFFFFC000;
	(pc) =	sbr.rel @p1 .LBB2_3-.Ltmp3, $4  }
0xf2: {  	[tilespmem:s20], [sflag:$0x1] =	stream.indirect.gather [hbm4b:s2+s18], $0x80, s23, s18, $0xb8;
	[tilespmem:$0x1E800] =	vst v63  }
0xf3: {  	_ =	swait.ge [sflag:s21], $0x4000  }
0xf4: {  	[sflag:s21] =	ssyncset.done $0x0  }
0xf5: {  	s0 =	sadd.s32 $0x2800, s0;
	[sflag:s21] =	ssyncadd.s32 $0xFFFFC000  }
0xf6: {  	[spmem:s3] =	stream.indirect.scatter.add.f32 [tilespmem:s19], [sflag:$0x2], $0x80, s0, s18, $0xb8;
	[tilespmem:$0x1E800] =	vst v63  }
0xf7: {  	_ =	swait.ge [sflag:s21], $0x4000  }
0xf8: {  	[sflag:s21] =	ssyncset.done $0x0  }
0xf9: {  	[sflag:s21] =	ssyncadd.s32 $0xFFFFC000  }
0xfa: {  	[spmem:s3] =	stream.indirect.scatter.add.f32 [tilespmem:s20], [sflag:$0x2], $0x80, s30, s18, $0xb8;
	[tilespmem:$0x1E800] =	vst v63  }
0xfb: {  	_ =	swait.ge [sflag:s22], $0x4000  }
0xfc: {  	[sflag:s22] =	ssyncset.done $0x0  }
0xfd: {  	[sflag:s22] =	ssyncadd.s32 $0xFFFFC000  }
0xfe: {  	_ =	swait.ge [sflag:s22], $0x4000  }
0xff: {  	[sflag:s22] =	ssyncset.done $0x0  }
0x100: {  	[sflag:s22] =	ssyncadd.s32 $0xFFFFC000  }
0x101: {  	[tilespmem:s4], [sflag:$0x3] =	stream.linear.gather [hbm4b:s9+s4], $0x1400, $0x38;
	[tilespmem:$0x1E800] =	vst v63  }
0x102: {  	_ =	swait.ge [sflag:s16], $0x1400  }
0x103: {  	[sflag:s16] =	ssyncset.done $0x0  }
0x104: {  	[sflag:s16] =	ssyncadd.s32 $0xFFFFEC00  }
0x105: {  	[tilespmem:s17], [sflag:$0x3] =	stream.linear.gather [hbm4b:s10+s4], $0x1400, $0x38;
	[tilespmem:$0x1E800] =	vst v63  }
0x106: {  	_ =	swait.ge [sflag:s16], $0x1400  }
0x107: {  	[sflag:s16] =	ssyncset.done $0x0  }
0x108: {  	[sflag:s16] =	ssyncadd.s32 $0xFFFFEC00  }
0x109: {  	[tilespmem:s19], [sflag:$0x1] =	stream.indirect.gather [hbm4b:s2+s18], $0x80, s4, s18, $0xb8;
	[tilespmem:$0x1E800] =	vst v63  }
0x10a: {  	_ = 	snop  }
0x10b: {  	[tilespmem:s20], [sflag:$0x1] =	stream.indirect.gather [hbm4b:s2+s18], $0x80, s18, s18, $0xb8;
	[tilespmem:$0x1E800] =	vst v63  }
0x10c: {  	_ =	swait.ge [sflag:s21], $0x4000  }
0x10d: {  	[sflag:s21] =	ssyncset.done $0x0  }
0x10e: {  	[sflag:s21] =	ssyncadd.s32 $0xFFFFC000  }
0x10f: {  	[spmem:s3] =	stream.indirect.scatter.add.f32 [tilespmem:s19], [sflag:$0x2], $0x80, s17, s18, $0xb8;
	[tilespmem:$0x1E800] =	vst v63  }
0x110: {  	_ =	swait.ge [sflag:s22], $0x4000  }
0x111: {  	[sflag:s22] =	ssyncset.done $0x0  }
0x112: {  	s23 =	simm.s32 $0x100;
	[sflag:s22] =	ssyncadd.s32 $0xFFFFC000  }
0x113: {  	[tilespmem:s19], [sflag:$0x1] =	stream.indirect.gather [hbm4b:s2+s18], $0x80, s23, s18, $0xb8;
	[tilespmem:$0x1E800] =	vst v63  }
0x114: {  	_ =	swait.ge [sflag:s21], $0x4000  }
0x115: {  	[sflag:s21] =	ssyncset.done $0x0  }
0x116: {  	s1 =	simm.s32 $0x1480;
	[sflag:s21] =	ssyncadd.s32 $0xFFFFC000  }
0x117: {  	[spmem:s3] =	stream.indirect.scatter.add.f32 [tilespmem:s20], [sflag:$0x2], $0x80, s1, s18, $0xb8;
	[tilespmem:$0x1E800] =	vst v63  }
0x118: {  	_ =	swait.ge [sflag:s22], $0x4000  }
0x119: {  	p1 =	por $0x0, $0x0;
	[sflag:s22] =	ssyncset.done $0x0  }
.Ltmp4:
0x11a: {  	s23 =	simm.s32 $0x180;
	[sflag:s22] =	ssyncadd.s32 $0xFFFFC000;
	(pc) =	sbr.rel @p1 .LBB2_6-.Ltmp4, $4  }
0x11b: {  	[tilespmem:s20], [sflag:$0x1] =	stream.indirect.gather [hbm4b:s2+s18], $0x80, s23, s18, $0xb8;
	[tilespmem:$0x1E800] =	vst v63  }
0x11c: {  	_ =	swait.ge [sflag:s21], $0x4000  }
0x11d: {  	[sflag:s21] =	ssyncset.done $0x0  }
0x11e: {  	s0 =	simm.s32 $0x1500;
	s1 =	simm.s32 $0xFFFFB800;
	[sflag:s21] =	ssyncadd.s32 $0xFFFFC000  }
.LBB2_5:
0x11f: {  	[spmem:s3] =	stream.indirect.scatter.add.f32 [tilespmem:s19], [sflag:$0x2], $0x80, s0, s18, $0xb8;
	[tilespmem:$0x1E800] =	vst v63  }
0x120: {  	s0 =	smov.u32 s1  }
0x121: {  	p1 =	seq.s32 s1, $0xFFFFFC00;
	s1 =	sadd.s32 $0x400, s1;
	_ =	swait.ge [sflag:s22], $0x4000  }
0x122: {  	s0 =	sshra.s32 s0, $0x2;
	[sflag:s22] =	ssyncset.done $0x0  }
0x123: {  	s23 =	sadd.s32 $0x1400, s0;
	[sflag:s22] =	ssyncadd.s32 $0xFFFFC000  }
0x124: {  	[tilespmem:s19], [sflag:$0x1] =	stream.indirect.gather [hbm4b:s2+s18], $0x80, s23, s18, $0xb8;
	[tilespmem:$0x1E800] =	vst v63  }
0x125: {  	_ =	swait.ge [sflag:s21], $0x4000  }
0x126: {  	[sflag:s21] =	ssyncset.done $0x0  }
0x127: {  	s23 =	sadd.s32 $0x2780, s0;
	[sflag:s21] =	ssyncadd.s32 $0xFFFFC000  }
0x128: {  	[spmem:s3] =	stream.indirect.scatter.add.f32 [tilespmem:s20], [sflag:$0x2], $0x80, s23, s18, $0xb8;
	[tilespmem:$0x1E800] =	vst v63  }
0x129: {  	_ =	swait.ge [sflag:s22], $0x4000  }
0x12a: {  	[sflag:s22] =	ssyncset.done $0x0  }
.Ltmp5:
0x12b: {  	s23 =	sadd.s32 $0x1480, s0;
	[sflag:s22] =	ssyncadd.s32 $0xFFFFC000;
	(pc) =	sbr.rel @!p1 .LBB2_5-.Ltmp5, $4  }
0x12c: {  	[tilespmem:s20], [sflag:$0x1] =	stream.indirect.gather [hbm4b:s2+s18], $0x80, s23, s18, $0xb8;
	[tilespmem:$0x1E800] =	vst v63  }
0x12d: {  	_ =	swait.ge [sflag:s21], $0x4000  }
0x12e: {  	[sflag:s21] =	ssyncset.done $0x0  }
0x12f: {  	s0 =	sadd.s32 $0x2800, s0;
	[sflag:s21] =	ssyncadd.s32 $0xFFFFC000  }
.LBB2_6:
.Ltmp6:
0x130: {  	(pc) =	sbr.rel .LBB2_8-.Ltmp6, $3  }
0x131: {  	_ =	sdelay $0x1  }
0x132: {  	[spmem:s3] =	stream.indirect.scatter.add.f32 [tilespmem:s19], [sflag:$0x2], $0x80, s0, s18, $0xb8;
	[tilespmem:$0x1E800] =	vst v63  }
0x133: {  	s0 =	simm.s32 $0x2780  }
.LBB2_9:
0x134: {  	_ =	sfence.sel $0x180000  }
0x135: {  	[bflag:$0x0] =	sbarrier.arrive $0xFFFF  }
0x136: {  	_ =	strace $0x9000004A  }
0x137: {  	s0 =	stileid.u32;
	[bflag:$0x2] =	sbarrier.arrive $0xFFFF  }
0x138: {  	p0 =	sne.s32 s0, $0x0;
	s0 =	rddreg [dreg:$0x3]  }
0x139: {  	s0 =	sadd.s32 @!p0 $0x100000, s0  }
0x13a: {  	[sflag:s0] =	ssyncadd.tile.s32 @!p0 $0x1;
	_ =	shalt  }
.Lfunc_end2:
_tile_overlayer_lowered:
.L_overlay_start_2:
0x13b: {  	(tag) =	ssettag $0x2  }
0x13c: {  	s0 =	rddreg [dreg:$0x0];
	s2 =	stileid.u32  }
0x13d: {  	s1 =	rddreg [dreg:$0x1];
	p0 =	sne.s32 s2, $0x0  }
0x13e: {  	s3 =	rddreg [dreg:$0x2];
	[bflag:$0x3] =	sbarrier.arrive $0xFFFF;
	s2 =	simm.s32 @!p0 $0x1C03  }
0x13f: {  	[timem:s3], [sflag:s2] =	dma.local @!p0 [hbm:s0], s1  }
0x140: {  	s0 =	simm.s32 @!p0 $0x3  }
0x141: {  	_ =	swait.ge @!p0 [sflag:s0], s1  }
0x142: {  	s1 =	ssub.s32 @!p0 $0x0, s1;
	[sflag:s0] =	ssyncset.done @!p0 $0x0  }
0x143: {  	[sflag:s0] =	ssyncadd.s32 @!p0 s1  }
0x144: {  	[bflag:$0x3] =	sbarrier.arrive $0xFFFF  }
0x145: {  	_ =	shalt  }

// kernel: kernel.7.cloned.1.call-start
scs
__scs_entry_jumppad:
0x0: {  	(pc) =	sbr.rel $0x88, $3  }
0x1: {  	(tag) =	ssettag $0x0;
	lr =	simm.s32 $0x1  }
0x2: {  	[smem:$0x3F9C] =	sst lr;
	_ =	strace $0xD0000000  }
0x3: {  	_ = 	snop  }
0x4: {  	_ = 	snop  }
0x5: {  	_ = 	snop  }
0x6: {  	_ = 	snop  }
0x7: {  	_ = 	snop  }
__scs_overlays_trampoline_lowered:
0x8: {  	[smem:$0x3FAB] =	sst s0  }
0x9: {  	[smem:$0x3FAC] =	sst s1  }
0xa: {  	[smem:$0x3FAD] =	sst s2  }
0xb: {  	[smem:$0x3FAE] =	sst s3  }
0xc: {  	[smem:$0x3FAF] =	sst s4  }
0xd: {  	[smem:$0x3FB0] =	sst s5  }
0xe: {  	[smem:$0x3FB1] =	sst s6  }
0xf: {  	[smem:$0x3FB2] =	sst s7  }
0x10: {  	[smem:$0x3FB3] =	sst s8  }
0x11: {  	[smem:$0x3FB4] =	sst s9;
	s0 =	simm.s32 @!p0 $0x0  }
0x12: {  	s1 =	sld [smem:$0x3F9A];
	s0 =	simm.s32 @p0 $0x1  }
0x13: {  	[smem:$0x3FB5] =	sst s0;
	s0 =	simm.s32 @!p1 $0x0  }
0x14: {  	s2 =	sld [smem:$0x3F99];
	s0 =	simm.s32 @p1 $0x1  }
0x15: {  	[smem:$0x3FB6] =	sst s0;
	s0 =	simm.s32 @!p2 $0x0  }
0x16: {  	s3 =	sld [smem:$0x3FDB];
	s0 =	simm.s32 @p2 $0x1  }
0x17: {  	s4 =	simm.s32 $0x1BF5;
	[smem:$0x3FB8] =	sst s0  }
0x18: {  	s0 =	sld [smem:$0x3F9B];
	_ =	swait.ge [sflag:s4], $0x0  }
0x19: {  	s7 =	sld [smem:$0x3F9C]  }
0x1a: {  	s8 =	sadd.s32 $0xFFFFE003, lr  }
0x1b: {  	s9 =	sadd.s32 $0xFFFFFEF7, lr;
	s5 =	simm.s32 $0xFFFFFFFF;
	p2 =	slt.u32 s8, $0xFFFFF086  }
0x1c: {  	p1 =	slt.u32 s9, $0xF7A;
	s5 =	simm.s32 @!p2 $0x0  }
0x1d: {  	s5 =	simm.s32 @p1 $0x1;
	p0 =	seq.s32 s7, s2  }
0x1e: {  	s7 =	smul.u32 @!p0 $0xF7A, s2;
	p2 =	seq.s32 @!p0 s5, $0x0  }
0x1f: {  	s9 =	smul.u32 $0xF7A, s1;
	s8 =	simm.s32 @!p0 $0x1BF5;
	p2 =	por !p2, p0  }
0x20: {  	[sflag:s8] =	ssyncset.s32 @!p0 $0xFFFFF086;
	s6 =	sadd.s32 @!p0 s3, s7;
	s7 =	simm.s32 @!p0 $0x108  }
0x21: {  	s3 =	sadd.s32 s3, s9;
	s6 =	sadd.s32 @!p0 $0x88, s6;
	s7 =	simm.s32 @p2 $0x1082  }
0x22: {  	[simem:s7], [sflag:s8] =	dma.local @!p0 [hbm:s6], $0xF7A  }
0x23: {  	s9 =	sor.u32 $0xD0000000, s2;
	s6 =	simm.s32 $0x108;
	_ =	swait.ge @!p0 [sflag:s8], $0x0  }
0x24: {  	s3 =	sadd.s32 $0x88, s3;
	s6 =	simm.s32 @!p1 $0x1082;
	[sflag:s4] =	ssyncset.s32 $0xFFFFF086  }
0x25: {  	[simem:s6], [sflag:s4] =	dma.local [hbm:s3], $0xF7A  }
0x26: {  	[smem:$0x3F9C] =	sst s1;
	(tag) =	ssettag s2;
	_ =	strace s9  }
0x27: {  	s1 =	sld [smem:$0x3FAC]  }
0x28: {  	s2 =	sld [smem:$0x3FAD]  }
0x29: {  	s4 =	sld [smem:$0x3FAF]  }
0x2a: {  	p0 =	seq.s32 s5, $0x0;
	s5 =	sld [smem:$0x3FB0]  }
0x2b: {  	s6 =	sld [smem:$0x3FB1]  }
0x2c: {  	s7 =	sld [smem:$0x3FB2]  }
0x2d: {  	s3 =	simm.s32 $0x108;
	s8 =	sld [smem:$0x3FB3]  }
0x2e: {  	s3 =	simm.s32 @!p0 $0x1082;
	s9 =	sld [smem:$0x3FB4]  }
0x2f: {  	lr =	sadd.s32 s0, s3;
	s0 =	sld [smem:$0x3FAB]  }
0x30: {  	s3 =	sld [smem:$0x3FAE]  }
0x31: {  	[smem:$0x3FB7] =	sst s10  }
0x32: {  	s10 =	sld [smem:$0x3FB5];
	_ =	sdelay $0x3  }
0x33: {  	p0 =	seq.s32 s10, $0x1;
	s10 =	sld [smem:$0x3FB7];
	_ =	sdelay $0x3  }
0x34: {  	[smem:$0x3FB7] =	sst s10  }
0x35: {  	s10 =	sld [smem:$0x3FB6];
	_ =	sdelay $0x3  }
0x36: {  	p1 =	seq.s32 s10, $0x1;
	s10 =	sld [smem:$0x3FB7];
	_ =	sdelay $0x3  }
0x37: {  	[smem:$0x3FB7] =	sst s10  }
0x38: {  	s10 =	sld [smem:$0x3FB8]  }
0x39: {  	_ = 	snop;
	(pc) =	sbr.ind lr, $3  }
0x3a: {  	_ = 	snop  }
0x3b: {  	_ = 	snop  }
0x3c: {  	p2 =	seq.s32 s10, $0x1;
	s10 =	sld [smem:$0x3FB7]  }
0x3d: {  	_ =	shalt  }
0x3e: {  	_ =	shalt  }
0x3f: {  	_ =	shalt  }
0x40: {  	_ =	shalt  }
0x41: {  	_ =	shalt  }
0x42: {  	_ =	shalt  }
0x43: {  	_ =	shalt  }
0x44: {  	_ =	shalt  }
0x45: {  	_ =	shalt  }
0x46: {  	_ =	shalt  }
0x47: {  	_ =	shalt  }
0x48: {  	_ =	shalt  }
0x49: {  	_ =	shalt  }
0x4a: {  	_ =	shalt  }
0x4b: {  	_ =	shalt  }
0x4c: {  	_ =	shalt  }
0x4d: {  	_ =	shalt  }
0x4e: {  	_ =	shalt  }
0x4f: {  	_ =	shalt  }
0x50: {  	_ =	shalt  }
0x51: {  	_ =	shalt  }
0x52: {  	_ =	shalt  }
0x53: {  	_ =	shalt  }
0x54: {  	_ =	shalt  }
0x55: {  	_ =	shalt  }
0x56: {  	_ =	shalt  }
0x57: {  	_ =	shalt  }
0x58: {  	_ =	shalt  }
0x59: {  	_ =	shalt  }
0x5a: {  	_ =	shalt  }
0x5b: {  	_ =	shalt  }
0x5c: {  	_ =	shalt  }
0x5d: {  	_ =	shalt  }
0x5e: {  	_ =	shalt  }
0x5f: {  	_ =	shalt  }
0x60: {  	_ =	shalt  }
0x61: {  	_ =	shalt  }
0x62: {  	_ =	shalt  }
0x63: {  	_ =	shalt  }
0x64: {  	_ =	shalt  }
0x65: {  	_ =	shalt  }
0x66: {  	_ =	shalt  }
0x67: {  	_ =	shalt  }
0x68: {  	_ =	shalt  }
0x69: {  	_ =	shalt  }
0x6a: {  	_ =	shalt  }
0x6b: {  	_ =	shalt  }
0x6c: {  	_ =	shalt  }
0x6d: {  	_ =	shalt  }
0x6e: {  	_ =	shalt  }
0x6f: {  	_ =	shalt  }
0x70: {  	_ =	shalt  }
0x71: {  	_ =	shalt  }
0x72: {  	_ =	shalt  }
0x73: {  	_ =	shalt  }
0x74: {  	_ =	shalt  }
0x75: {  	_ =	shalt  }
0x76: {  	_ =	shalt  }
0x77: {  	_ =	shalt  }
0x78: {  	_ =	shalt  }
0x79: {  	_ =	shalt  }
0x7a: {  	_ =	shalt  }
0x7b: {  	_ =	shalt  }
0x7c: {  	_ =	shalt  }
0x7d: {  	_ =	shalt  }
0x7e: {  	_ =	shalt  }
0x7f: {  	_ =	shalt  }
0x80: {  	_ =	shalt  }
0x81: {  	_ =	shalt  }
0x82: {  	_ =	shalt  }
0x83: {  	_ =	shalt  }
0x84: {  	_ =	shalt  }
0x85: {  	_ =	shalt  }
0x86: {  	_ =	shalt  }
0x87: {  	_ =	shalt  }
.Lfunc_end0:
.L_simem_size_0:
called_computation_lowered:
.L_overlay_start_0:
0x88: {  	s2 =	sld [smem:$0x3FD9]  }
0x89: {  	s3 =	sld [smem:$0x3FFE];
	_ =	sdelay $0x1  }
0x8a: {  	s1 =	srdreg.scid  }
0x8b: {  	s0 =	sand.u32 $0x1, s1  }
0x8c: {  	s17 =	sshll.u32 s0, $0xA;
	s2 =	sadd.s32 s3, s2  }
0x8d: {  	s2 =	sadd.s32 s2, s17  }
0x8e: {  	[smem:$0x3FC3] =	sst s2  }
0x8f: {  	_ = 	snop  }
0x90: {  	s2 =	sld [smem:$0x3FD0];
	(tm) =	ssettm $0x1  }
0x91: {  	s18 =	sld [smem:$0x3FFB];
	_ =	sdelay $0x3  }
0x92: {  	_ =	strace s18  }
0x93: {  	s3 =	sld [smem:$0x3FFC];
	_ =	sdelay $0x3  }
0x94: {  	_ =	strace s3  }
0x95: {  	s3 =	sld [smem:$0x3FFD];
	_ =	sdelay $0x3  }
0x96: {  	_ =	strace s3  }
0x97: {  	_ =	strace $0x8FFFFFFF  }
0x98: {  	s19 =	sld [smem:$0x3FDB];
	_ =	sdelay $0x1  }
0x99: {  	s4 =	simm.s32 $_scs_section_size  }
0x9a: {  	s5 =	simm.s32 $_size__tile_overlayer_lowered;
	s6 =	simm.s32 $_tile_overlayer_lowered  }
0x9b: {  	s22 =	simm.s32 $0x1BFF;
	s21 =	sshll.u32 s6, $0x1;
	s3 =	sadd.s32 s4, s19  }
0x9c: {  	s7 =	simm.s32 $0x0;
	s20 =	sshll.u32 s5, $0x1;
	s5 =	sadd.s32 s21, s3  }
0x9d: {  	[timem:s7], [sflag:s22] =	dma.local [hbm:s5], s20  }
0x9e: {  	_ =	swait.ge [sflag:s22], s20  }
0x9f: {  	s4 =	ssub.s32 $0x0, s20;
	[sflag:s22] =	ssyncset.done $0x0  }
0xa0: {  	[sflag:s22] =	ssyncadd.s32 s4;
	_ =	sdelay $0x1  }
0xa1: {  	s23 =	simm.s32 $0x1B8B  }
0xa2: {  	_ =	swait.ge [sflag:s23], $0x1  }
0xa3: {  	[sflag:s23] =	ssyncset.done $0x0  }
0xa4: {  	s25 =	simm.s32 $0x1B8E;
	s24 =	sld [smem:$0x3FFE];
	[sflag:s23] =	ssyncadd.s32 $0xFFFFFFFF  }
0xa5: {  	s26 =	simm.s32 $execute0_lowered;
	[smem:$0x3FD2] =	sst s25  }
0xa6: {  	s5 =	sshll.u32 s26, $0x1;
	_ =	strace $0x80000046;
	[dreg:$0x1] =	wrdreg $0xFFFFFFFF  }
0xa7: {  	s28 =	simm.s32 $_size_execute0_lowered;
	s3 =	sadd.s32 s3, s5;
	[dreg:$0x0] =	wrdreg $0x0  }
0xa8: {  	s5 =	sshll.u32 s28, $0x1;
	[dreg:$0x2] =	wrdreg s3  }
0xa9: {  	[dreg:$0x3] =	wrdreg s5  }
0xaa: {  	[dreg:$0x4] =	wrdreg $0xC0  }
0xab: {  	_ =	task [dreg:s7], $0x5FFFF  }
0xac: {  	[dreg:$0x1] =	wrdreg $0xFFFFFFFF  }
0xad: {  	[dreg:$0x0] =	wrdreg $0x60  }
0xae: {  	[dreg:$0x2] =	wrdreg s24  }
0xaf: {  	[dreg:$0x3] =	wrdreg s2  }
0xb0: {  	[dreg:$0x4] =	wrdreg $0x9  }
0xb1: {  	_ =	task.clear_ibuf [dreg:s7], $0x5FFFF;
	_ =	strace $0x90000046  }
0xb2: {  	s29 =	simm.s32 $0x9;
	_ =	strace $0x80000048  }
0xb3: {  	_ =	swait.ge [sflag:s29], $0x1  }
0xb4: {  	[sflag:s29] =	ssyncadd.s32 $0xFFFFFFFF  }
0xb5: {  	_ =	strace $0x90000048  }
0xb6: {  	_ =	sfence  }
0xb7: {  	s30 =	sld [smem:$0x0];
	_ =	sdelay $0x2  }
0xb8: {  	s31 =	sshll.u32 s1, $0xD;
	s1 =	sshrl.u32 s1, $0x2  }
0xb9: {  	s3 =	sand.u32 $0x4000, s31;
	s1 =	sadd.s32 s1, s30  }
0xba: {  	s0 =	sor.u32 s3, s0;
	s1 =	sshll.u32 s1, $0x11  }
0xbb: {  	s0 =	sor.u32 s1, s0  }
0xbc: {  	s0 =	sadd.s32 $0x8F2B, s0  }
0xbd: {  	[sflag:s0] =	ssyncadd.remote.s32 $0x1  }
0xbe: {  	_ =	sfence.sel $0xFFFF  }
0xbf: {  	[dreg:$0x0] =	wrdreg $0xFFFFFFFF;
	(pc) =	sbr.abs _section_cstart, $3  }
0xc0: {  	[dreg:$0x1] =	wrdreg $0xFFFFFFFF  }
0xc1: {  	_ =	task.clear_ibuf [dreg:s7], $0x2FFFF;
	_ =	strace $0x9FFFFFFF  }
0xc2: {  	(tm) =	ssettm $0x7FFFFFFF  }
0xc3: {  	_ =	shalt  }
tec
execute0_lowered:
.L_overlay_start_1:
0x0: {  	(tag) =	ssettag $0x1  }
0x1: {  	s4 =	rddreg [dreg:$0x0]  }
0x2: {  	s1 =	srdreg.scid;
	s0 =	stileid.u32  }
0x3: {  	s5 =	rddreg [dreg:$0x1];
	s3 =	sand.u32 $0x1, s1;
	s2 =	sshll.u32 s0, $0x1  }
0x4: {  	s1 =	rddreg [dreg:$0x2];
	s8 =	sshrl.u32 s0, $0x2;
	s7 =	sor.u32 s3, s2  }
0x5: {  	s2 =	simm.s32 $0x0;
	s8 =	smul.u32 $0x14000, s8;
	s3 =	ssub.s32 $0x2, s3  }
0x6: {  	s6 =	smul.u32 $0x2800, s7;
	[smem:$0x7FF] =	sst s2;
	s9 =	sshll.u32 s7, $0x7  }
0x7: {  	s10 =	sshrl.u32 s3, $0x1;
	p0 =	seq.s32 s7, $0x1F;
	s7 =	simm.s32 $0x1  }
.Ltmp0:
0x8: {  	_ =	strace $0x80000047;
	s9 =	sand.u32 $0x380, s9;
	(pc) =	sbr.rel .LBB2_1-.Ltmp0, $4  }
0x9: {  	s29 =	ssub.s32 s3, s10;
	s10 =	simm.s32 $0x400;
	s6 =	sshrl.u32 s6, $0x3  }
0xa: {  	s8 =	sor.u32 s8, s9;
	s9 =	simm.s32 $0x80;
	s30 =	sadd.s32 s4, s6  }
0xb: {  	s31 =	sshrl.u32 s8, $0x3;
	s4 =	sadd.s32 $0x15780, s4;
	s6 =	smax.u32 s29, $0x1  }
0xc: {  	v0 =	vimm.f32 $0.0e+00;
	v1 =	vimm.f32 $1.000000000e+00;
	s8 =	simm.s32 $0x2800;
	s3 =	sadd.s32 $0xBC80, s30;
	s5 =	sadd.s32 s5, s31  }
.LBB2_8:
0xd: {  	s2 =	sadd.s32 $0x1, s2  }
0xe: {  	p1 =	sne.s32 s2, s6  }
.Ltmp1:
0xf: {  	_ = 	snop;
	(pc) =	sbr.rel @!p1 .LBB2_9-.Ltmp1, $4  }
0x10: {  	[hbm4b:s5+s9] =	stream.strided.scatter [tilespmem:s8], [sflag:$0x1], $0x2800, s10, s9, $0x38;
	[tilespmem:$0x5000] =	vst v63  }
0x11: {  	_ =	swait.ge [sflag:s7], $0x2800  }
0x12: {  	[sflag:s7] =	ssyncset.done $0x0  }
0x13: {  	[sflag:s7] =	ssyncadd.s32 $0xFFFFD800  }
.LBB2_1:
0x14: {  	s11 =	simm.s32 $0x40;
	s12 =	simm.s32 $0x0  }
.LBB2_2:
0x15: {  	p1 =	sne.s32 s11, $0x9FC0;
	[tilespmem:s12+$0x2800] =	vst v0;
	s12 =	smov.u32 s11;
	s11 =	sadd.s32 $0x40, s11  }
.Ltmp2:
0x16: {  	(pc) =	sbr.rel @p1 .LBB2_2-.Ltmp2, $2  }
0x17: {  	_ =	sdelay $0x2  }
0x18: {  	s12 =	sshra.s32 s12, $0x2  }
.Ltmp3:
0x19: {  	(pc) =	sbr.rel @!p0 .LBB2_4-.Ltmp3, $2  }
0x1a: {  	_ =	sdelay $0x2  }
0x1b: {  	[tilespmem:s12+$0x2800] =	vst v0;
	s11 =	simm.s32 $0x0  }
0x1c: {  	[tilespmem:s11], [sflag:$0x1] =	stream.linear.gather [hbm4b:s4+s11], $0xA00, $0x38;
	[tilespmem:$0x5000] =	vst v63  }
0x1d: {  	_ =	swait.ge [sflag:s7], $0xA00  }
0x1e: {  	[sflag:s7] =	ssyncset.done $0x0  }
0x1f: {  	[sflag:s7] =	ssyncadd.s32 $0xFFFFF600  }
.LBB2_7:
0x20: {  	s12 =	sshra.s32 s11, $0x2  }
0x21: {  	v2 =	vld [tilespmem:s12+$0x0];
	_ =	sdelay $0x7  }
0x22: {  	[tilespmem:v2+s8+$0x0] =	vst.idx.add.f32.msk $0xffff, v1  }
0x23: {  	v2 =	vld [tilespmem:s12+$0x10];
	_ =	sdelay $0x7  }
0x24: {  	[tilespmem:v2+s8+$0x0] =	vst.idx.add.f32.msk $0xffff, v1  }
0x25: {  	v2 =	vld [tilespmem:s12+$0x20];
	_ =	sdelay $0x7  }
0x26: {  	[tilespmem:v2+s8+$0x0] =	vst.idx.add.f32.msk $0xffff, v1  }
0x27: {  	v2 =	vld [tilespmem:s12+$0x30];
	_ =	sdelay $0x7  }
0x28: {  	[tilespmem:v2+s8+$0x0] =	vst.idx.add.f32.msk $0xffff, v1  }
0x29: {  	v2 =	vld [tilespmem:s12+$0x40];
	_ =	sdelay $0x7  }
0x2a: {  	[tilespmem:v2+s8+$0x0] =	vst.idx.add.f32.msk $0xffff, v1  }
0x2b: {  	v2 =	vld [tilespmem:s12+$0x50];
	_ =	sdelay $0x7  }
0x2c: {  	[tilespmem:v2+s8+$0x0] =	vst.idx.add.f32.msk $0xffff, v1  }
0x2d: {  	v2 =	vld [tilespmem:s12+$0x60];
	_ =	sdelay $0x7  }
0x2e: {  	[tilespmem:v2+s8+$0x0] =	vst.idx.add.f32.msk $0xffff, v1  }
0x2f: {  	v2 =	vld [tilespmem:s12+$0x70];
	_ =	sdelay $0x2  }
0x30: {  	p1 =	sne.s32 s11, $0x2600  }
.Ltmp4:
0x31: {  	_ = 	snop;
	(pc) =	sbr.rel @p1 .LBB2_7-.Ltmp4, $2  }
0x32: {  	_ =	sdelay $0x2  }
0x33: {  	s11 =	sadd.s32 $0x200, s11;
	[tilespmem:v2+s8+$0x0] =	vst.idx.add.f32.msk $0xffff, v1  }
.Ltmp5:
0x34: {  	_ = 	snop;
	(pc) =	sbr.rel .LBB2_8-.Ltmp5, $1  }
0x35: {  	_ =	sdelay $0x3  }
.LBB2_4:
0x36: {  	[tilespmem:s11], [sflag:$0x1] =	stream.linear.gather [hbm4b:s3+s11], $0x2800, $0x38;
	[tilespmem:$0x5000] =	vst v63  }
0x37: {  	_ =	swait.ge [sflag:s7], $0x2800  }
0x38: {  	[sflag:s7] =	ssyncset.done $0x0  }
0x39: {  	[sflag:s7] =	ssyncadd.s32 $0xFFFFD800  }
.LBB2_5:
0x3a: {  	s12 =	sshra.s32 s11, $0x2  }
0x3b: {  	v2 =	vld [tilespmem:s12+$0x0];
	_ =	sdelay $0x7  }
0x3c: {  	[tilespmem:v2+s8+$0x0] =	vst.idx.add.f32.msk $0xffff, v1  }
0x3d: {  	v2 =	vld [tilespmem:s12+$0x10];
	_ =	sdelay $0x7  }
0x3e: {  	[tilespmem:v2+s8+$0x0] =	vst.idx.add.f32.msk $0xffff, v1  }
0x3f: {  	v2 =	vld [tilespmem:s12+$0x20];
	_ =	sdelay $0x7  }
0x40: {  	[tilespmem:v2+s8+$0x0] =	vst.idx.add.f32.msk $0xffff, v1  }
0x41: {  	v2 =	vld [tilespmem:s12+$0x30];
	_ =	sdelay $0x7  }
0x42: {  	[tilespmem:v2+s8+$0x0] =	vst.idx.add.f32.msk $0xffff, v1  }
0x43: {  	v2 =	vld [tilespmem:s12+$0x40];
	_ =	sdelay $0x7  }
0x44: {  	[tilespmem:v2+s8+$0x0] =	vst.idx.add.f32.msk $0xffff, v1  }
0x45: {  	v2 =	vld [tilespmem:s12+$0x50];
	_ =	sdelay $0x7  }
0x46: {  	[tilespmem:v2+s8+$0x0] =	vst.idx.add.f32.msk $0xffff, v1  }
0x47: {  	v2 =	vld [tilespmem:s12+$0x60];
	_ =	sdelay $0x7  }
0x48: {  	[tilespmem:v2+s8+$0x0] =	vst.idx.add.f32.msk $0xffff, v1  }
0x49: {  	v2 =	vld [tilespmem:s12+$0x70];
	_ =	sdelay $0x2  }
0x4a: {  	p1 =	seq.s32 s11, $0x9E00  }
.Ltmp6:
0x4b: {  	_ = 	snop;
	(pc) =	sbr.rel @!p1 .LBB2_5-.Ltmp6, $2  }
0x4c: {  	_ =	sdelay $0x2  }
0x4d: {  	s11 =	sadd.s32 $0x200, s11;
	[tilespmem:v2+s8+$0x0] =	vst.idx.add.f32.msk $0xffff, v1  }
.Ltmp7:
0x4e: {  	_ = 	snop;
	(pc) =	sbr.rel .LBB2_8-.Ltmp7, $1  }
0x4f: {  	_ =	sdelay $0x3  }
.LBB2_9:
0x50: {  	_ =	sfence.sel $0x180000  }
0x51: {  	[bflag:$0x0] =	sbarrier.arrive $0xFFFF  }
0x52: {  	p0 =	sne.s32 s0, $0x0;
	_ =	strace $0x90000047  }
0x53: {  	s0 =	sadd.s32 @!p0 $0x100000, s1;
	[bflag:$0x2] =	sbarrier.arrive $0xFFFF  }
0x54: {  	[sflag:s0] =	ssyncadd.tile.s32 @!p0 $0x1;
	_ =	shalt  }
.Lfunc_end2:
_tile_overlayer_lowered:
.L_overlay_start_2:
0x55: {  	(tag) =	ssettag $0x2  }
0x56: {  	s0 =	rddreg [dreg:$0x0];
	s2 =	stileid.u32  }
0x57: {  	s1 =	rddreg [dreg:$0x1];
	p0 =	sne.s32 s2, $0x0  }
0x58: {  	s3 =	rddreg [dreg:$0x2];
	[bflag:$0x3] =	sbarrier.arrive $0xFFFF;
	s2 =	simm.s32 @!p0 $0x1C01  }
0x59: {  	[timem:s3], [sflag:s2] =	dma.local @!p0 [hbm:s0], s1  }
0x5a: {  	s0 =	simm.s32 @!p0 $0x1  }
0x5b: {  	_ =	swait.ge @!p0 [sflag:s0], s1  }
0x5c: {  	s1 =	ssub.s32 @!p0 $0x0, s1;
	[sflag:s0] =	ssyncset.done @!p0 $0x0  }
0x5d: {  	[sflag:s0] =	ssyncadd.s32 @!p0 s1  }
0x5e: {  	[bflag:$0x3] =	sbarrier.arrive $0xFFFF  }
0x5f: {  	_ =	shalt  }

</sc_bundles>
